<compile_context>
chip_gen: v7x
topology: tpu7x:2x2x1
jax: 0.10.2.dev20260603
libtpu: 0.0.44.dev20260713+nightly
codegen_flags: <defaults>
</compile_context>

<pallas_src>
import jax
import jax.numpy as jnp
from jax import lax
from jax.experimental import pallas as pl
from jax.experimental.pallas import tpu as pltpu
from jax.experimental.pallas import tpu_sc as plsc

N_NODES = 10000
N_EDGES = 320000
D = 128

NC = 2
NS = 16
NW = NC * NS
EW = N_EDGES // NW
CHUNK = 80
NCHUNK = EW // CHUNK
ROWS_PER_TILE = 624
TAIL_BASE = ROWS_PER_TILE * NS
TAIL_ROWS = N_NODES - TAIL_BASE
ZROWS = 48


def _gelu16(v):
    e = jnp.exp(jnp.float32(-1.702) * v)
    return v / (jnp.float32(1.0) + e)


def _scatter_add(data_buf, shared_ref, idx_buf):
    pltpu.sync_copy(data_buf, shared_ref.at[idx_buf], add=True)



def _proj_body(feat_ref, coord_ref, w1a_ref, w1b_ref, w1c_ref, b1_ref,
               p_ref, q_ref):
    f = feat_ref[...]
    cw = jnp.dot(coord_ref[...], w1c_ref[...],
                 preferred_element_type=jnp.float32)
    fb = jnp.dot(f, w1b_ref[...], preferred_element_type=jnp.float32)
    wd = w1a_ref[...] - w1b_ref[...]
    p_ref[...] = jnp.dot(f, wd, preferred_element_type=jnp.float32) - cw
    q_ref[...] = fb + cw + b1_ref[...]


def _node_proj(feat, coord_p, w1a, w1b, w1c_p, b1r):
    nb = 10
    blk = N_NODES // nb
    return pl.pallas_call(
        _proj_body,
        grid=(nb,),
        in_specs=[
            pl.BlockSpec((blk, D), lambda i: (i, 0)),
            pl.BlockSpec((blk, 8), lambda i: (i, 0)),
            pl.BlockSpec((D, D), lambda i: (0, 0)),
            pl.BlockSpec((D, D), lambda i: (0, 0)),
            pl.BlockSpec((8, D), lambda i: (0, 0)),
            pl.BlockSpec((1, D), lambda i: (0, 0)),
        ],
        out_specs=[
            pl.BlockSpec((blk, D), lambda i: (i, 0)),
            pl.BlockSpec((blk, D), lambda i: (i, 0)),
        ],
        out_shape=[
            jax.ShapeDtypeStruct((N_NODES, D), jnp.float32),
            jax.ShapeDtypeStruct((N_NODES, D), jnp.float32),
        ],
    )(feat, coord_p, w1a, w1b, w1c_p, b1r)



def _sc_edge_body(p_hbm, q_hbm, src_hbm, dst_hbm,
                  msg_out, cnt_out,
                  src_buf, dst_buf, p_buf, q_buf,
                  zbuf, cnt_buf, acc_sh, sem_p, sem_q):
    c = lax.axis_index("c")
    s = lax.axis_index("s")
    wid = s * NC + c
    rows0 = s * ROWS_PER_TILE
    ebase = wid * EW

    zero16 = jnp.zeros((16,), jnp.float32)
    one16 = jnp.full((16,), 1.0, jnp.float32)

    @pl.loop(0, N_NODES // 16)
    def _zero_cnt(i):
        cnt_buf[pl.ds(i * 16, 16)] = zero16

    def _zero_acc():
        @pl.loop(0, ZROWS)
        def _fill_z(i):
            for j in range(D // 16):
                zbuf[i, pl.ds(j * 16, 16)] = zero16

        @pl.loop(0, ROWS_PER_TILE // ZROWS)
        def _zero(t):
            off = rows0 + t * ZROWS
            pltpu.sync_copy(zbuf, acc_sh.at[pl.ds(off, ZROWS)])

        @pl.when(s == NS - 1)
        def _zero_tail():
            pltpu.sync_copy(zbuf.at[pl.ds(0, TAIL_ROWS)],
                            acc_sh.at[pl.ds(TAIL_BASE, TAIL_ROWS)])

    def _flush_acc(out_hbm):
        @pl.loop(0, ROWS_PER_TILE // ZROWS)
        def _flush(t):
            off = rows0 + t * ZROWS
            out0 = c * N_NODES + off
            pltpu.sync_copy(acc_sh.at[pl.ds(off, ZROWS)], zbuf)
            pltpu.sync_copy(zbuf, out_hbm.at[pl.ds(out0, ZROWS)])

        @pl.when(s == NS - 1)
        def _flush_tail():
            tail0 = c * N_NODES + TAIL_BASE
            pltpu.sync_copy(acc_sh.at[pl.ds(TAIL_BASE, TAIL_ROWS)],
                            zbuf.at[pl.ds(0, TAIL_ROWS)])
            pltpu.sync_copy(zbuf.at[pl.ds(0, TAIL_ROWS)],
                            out_hbm.at[pl.ds(tail0, TAIL_ROWS)])

    _zero_acc()
    plsc.subcore_barrier()

    @pl.loop(0, NCHUNK)
    def chunk(k):
        base = ebase + k * CHUNK
        pltpu.sync_copy(src_hbm.at[pl.ds(base, CHUNK)], src_buf)
        pltpu.sync_copy(dst_hbm.at[pl.ds(base, CHUNK)], dst_buf)
        cp_p = pltpu.async_copy(p_hbm.at[src_buf], p_buf, sem_p)
        cp_q = pltpu.async_copy(q_hbm.at[dst_buf], q_buf, sem_q)
        for g in range(CHUNK // 16):
            idxv = dst_buf[pl.ds(g * 16, 16)]
            plsc.addupdate_scatter(cnt_buf, [idxv], one16)
        cp_p.wait()
        cp_q.wait()

        @pl.loop(0, CHUNK)
        def row(i):
            for j in range(D // 16):
                sl = pl.ds(j * 16, 16)
                v = p_buf[i, sl] + q_buf[i, sl]
                p_buf[i, sl] = _gelu16(v)

        _scatter_add(p_buf, acc_sh, dst_buf)

    plsc.subcore_barrier()
    _flush_acc(msg_out)
    pltpu.sync_copy(cnt_buf, cnt_out.at[pl.ds(wid * N_NODES, N_NODES)])


_sc_edge = pl.kernel(
    _sc_edge_body,
    out_type=[
        jax.ShapeDtypeStruct((NC * N_NODES, D), jnp.float32),
        jax.ShapeDtypeStruct((NW * N_NODES,), jnp.float32),
    ],
    mesh=plsc.VectorSubcoreMesh(core_axis_name="c", subcore_axis_name="s",
                                num_cores=NC, num_subcores=NS),
    compiler_params=pltpu.CompilerParams(needs_layout_passes=False),
    scratch_types=[
        pltpu.VMEM((CHUNK,), jnp.int32),
        pltpu.VMEM((CHUNK,), jnp.int32),
        pltpu.VMEM((CHUNK, D), jnp.float32),
        pltpu.VMEM((CHUNK, D), jnp.float32),
        pltpu.VMEM((ZROWS, D), jnp.float32),
        pltpu.VMEM((N_NODES,), jnp.float32),
        pltpu.VMEM_SHARED((N_NODES, D), jnp.float32),
        pltpu.SemaphoreType.DMA,
        pltpu.SemaphoreType.DMA,
    ],
)



def _finish_body(gm_ref, gc_ref, feat_ref, w2_ref, b2_ref, gamma_ref, beta_ref,
                 out_ref):
    g = gm_ref[0] + gm_ref[1]
    cnt = jnp.sum(gc_ref[...], axis=1, keepdims=True)
    summed = jnp.dot(g, w2_ref[...], preferred_element_type=jnp.float32)
    summed = summed + cnt * b2_ref[...]
    agg = summed / jnp.maximum(cnt, jnp.float32(1.0))
    x = agg + feat_ref[...]
    mean = jnp.mean(x, axis=1, keepdims=True)
    xc = x - mean
    var = jnp.mean(xc * xc, axis=1, keepdims=True)
    out_ref[...] = (xc * lax.rsqrt(var + jnp.float32(1e-5)) * gamma_ref[...]
                    + beta_ref[...])


def _finish(gmsg, gcnt, feat, w2, b2r, gammar, betar):
    nb = 10
    blk = N_NODES // nb
    return pl.pallas_call(
        _finish_body,
        grid=(nb,),
        in_specs=[
            pl.BlockSpec((NC, blk, D), lambda i: (0, i, 0)),
            pl.BlockSpec((blk, NW), lambda i: (i, 0)),
            pl.BlockSpec((blk, D), lambda i: (i, 0)),
            pl.BlockSpec((D, D), lambda i: (0, 0)),
            pl.BlockSpec((1, D), lambda i: (0, 0)),
            pl.BlockSpec((1, D), lambda i: (0, 0)),
            pl.BlockSpec((1, D), lambda i: (0, 0)),
        ],
        out_specs=pl.BlockSpec((blk, D), lambda i: (i, 0)),
        out_shape=jax.ShapeDtypeStruct((N_NODES, D), jnp.float32),
    )(gmsg, gcnt, feat, w2, b2r, gammar, betar)


def kernel(feat, edge_index, coord, W1, b1, W2, b2, gamma, beta):
    src = edge_index[0].astype(jnp.int32)
    dst = edge_index[1].astype(jnp.int32)
    coord_p = jnp.pad(coord, ((0, 0), (0, 5)))
    w1a = W1[0:D]
    w1b = W1[D:2 * D]
    w1c_p = jnp.pad(W1[2 * D:], ((0, 5), (0, 0)))
    b1r = b1.reshape(1, D)

    p_tab, q_tab = _node_proj(feat, coord_p, w1a, w1b, w1c_p, b1r)

    gmsg, gcnt = _sc_edge(p_tab, q_tab, src, dst)
    gmsg = gmsg.reshape(NC, N_NODES, D)
    gcnt = gcnt.reshape(NW, N_NODES).T

    return _finish(gmsg, gcnt, feat, W2, b2.reshape(1, D),
                   gamma.reshape(1, D), beta.reshape(1, D))

# --- scband reference (transcript-rebuilt; emitter-appended) ---
"""Pipeline reference for scband-mesh-conv-block-18494129176647 (READ-ONLY COPY).

The authoritative reference and input builder live on the scoring server;
editing this copy changes nothing except your own understanding.
"""

import jax, jax.numpy as jnp
import numpy as np

N_NODES = 10000
N_EDGES = 320000
IN_DIM = 128
OUT_DIM = 128


def setup_inputs(seed: int = 0) -> dict:
    key = jax.random.key(seed)
    k_feat, k_edge, k_coord, k_w1, k_b1, k_w2, k_b2 = jax.random.split(key, 7)
    feat = jax.random.normal(k_feat, (N_NODES, IN_DIM), dtype=jnp.float32)
    edge_index = jax.random.randint(k_edge, (2, N_EDGES), 0, N_NODES, dtype=jnp.int64)
    coord = jax.random.normal(k_coord, (N_NODES, 3), dtype=jnp.float32)
    msg_in_dim = 2 * IN_DIM + 3
    lim1 = 1.0 / np.sqrt(msg_in_dim)
    W1 = jax.random.uniform(k_w1, (msg_in_dim, OUT_DIM), dtype=jnp.float32, minval=-lim1, maxval=lim1)
    b1 = jax.random.uniform(k_b1, (OUT_DIM,), dtype=jnp.float32, minval=-lim1, maxval=lim1)
    lim2 = 1.0 / np.sqrt(OUT_DIM)
    W2 = jax.random.uniform(k_w2, (OUT_DIM, OUT_DIM), dtype=jnp.float32, minval=-lim2, maxval=lim2)
    b2 = jax.random.uniform(k_b2, (OUT_DIM,), dtype=jnp.float32, minval=-lim2, maxval=lim2)
    gamma = jnp.ones((OUT_DIM,), dtype=jnp.float32)
    beta = jnp.zeros((OUT_DIM,), dtype=jnp.float32)
    return {"feat": feat, "edge_index": edge_index, "coord": coord, "W1": W1, "b1": b1, "W2": W2, "b2": b2, "gamma": gamma, "beta": beta}


def reference(feat, edge_index, coord, W1, b1, W2, b2, gamma, beta):
    src = edge_index[0]
    dst = edge_index[1]
    rel_pos = coord[dst] - coord[src]
    feat_src = feat[src]
    feat_dst = feat[dst]
    msg_in = jnp.concatenate([feat_src, feat_dst - feat_src, rel_pos], axis=-1)
    h = msg_in @ W1 + b1
    h = jax.nn.gelu(h, approximate=False)
    messages = h @ W2 + b2
    n = feat.shape[0]
    summed = jax.ops.segment_sum(messages, dst, num_segments=n)
    counts = jax.ops.segment_sum(jnp.ones((dst.shape[0],), dtype=jnp.float32), dst, num_segments=n)
    agg = summed / jnp.maximum(counts, 1.0)[:, None]
    x = agg + feat  # skip is Identity since in_dim == out_dim
    mean = jnp.mean(x, axis=-1, keepdims=True)
    var = jnp.mean((x - mean) ** 2, axis=-1, keepdims=True)
    out = (x - mean) / jnp.sqrt(var + 1e-5)
    return out * gamma + beta

if __name__ == "__main__":
    import jax
    _d = setup_inputs()
    print(jax.jit(kernel)(*tuple(_d.values())))

</pallas_src>

<mosaic_0001>
#map = affine_map<(d0, d1) -> (0, 0)>
#map1 = affine_map<(d0, d1) -> (0)>
module attributes {stable_mosaic.version = 14 : i64} {
  func.func @_sc_edge_body(%arg0: i32, %arg1: i32, %arg2: memref<10000x128xf32, #tpu.memory_space<hbm>>, %arg3: memref<10000x128xf32, #tpu.memory_space<hbm>>, %arg4: memref<320000xi32, #tpu.memory_space<hbm>>, %arg5: memref<320000xi32, #tpu.memory_space<hbm>>, %arg6: memref<20000x128xf32, #tpu.memory_space<hbm>>, %arg7: memref<320000xf32, #tpu.memory_space<hbm>>, %arg8: memref<80xi32, #tpu.memory_space<vmem>>, %arg9: memref<80xi32, #tpu.memory_space<vmem>>, %arg10: memref<80x128xf32, #tpu.memory_space<vmem>>, %arg11: memref<80x128xf32, #tpu.memory_space<vmem>>, %arg12: memref<48x128xf32, #tpu.memory_space<vmem>>, %arg13: memref<10000xf32, #tpu.memory_space<vmem>>, %arg14: memref<10000x128xf32, #tpu.memory_space<vmem_shared>>, %arg15: memref<!tpu.dma_semaphore, #tpu.memory_space<semaphore_mem>>, %arg16: memref<!tpu.dma_semaphore, #tpu.memory_space<semaphore_mem>>) attributes {dimension_semantics = [#tpu.dimension_semantics<core_parallel>, #tpu.dimension_semantics<subcore_parallel>], iteration_bounds = array<i64: 2, 16>, scalar_prefetch = 0 : i64, scratch_operands = 9 : i64, tpu.core_type = #tpu.core_type<sc_vector_subcore>, window_params = [{transform_indices = #map}, {transform_indices = #map}, {transform_indices = #map1}, {transform_indices = #map1}, {transform_indices = #map}, {transform_indices = #map1}]} {
    %mul3A = arith.constant 2 : i32
    %mul3A_0 = arith.muli %arg1, %mul3A : i32
    %add3A = arith.addi %mul3A_0, %arg0 : i32
    %mul3A_1 = arith.constant 624 : i32
    %mul3A_2 = arith.muli %arg1, %mul3A_1 : i32
    %mul3A_3 = arith.constant 10000 : i32
    %mul3A_4 = arith.muli %add3A, %mul3A_3 : i32
    %broadcast_in_dim3A = arith.constant 0.000000e+00 : f32
    %broadcast_in_dim3A_5 = vector.broadcast %broadcast_in_dim3A : f32 to vector<16xf32>
    %broadcast_in_dim3A_6 = arith.constant 1.000000e+00 : f32
    %broadcast_in_dim3A_7 = vector.broadcast %broadcast_in_dim3A_6 : f32 to vector<16xf32>
    %scan3A = arith.constant 0 : i32
    %scan3A_8 = arith.constant 625 : i32
    %scan3A_9 = arith.addi %scan3A, %scan3A_8 : i32
    %scan3A_10 = arith.constant 1 : i32
    scf.for %scan3A_42 = %scan3A to %scan3A_9 step %scan3A_10  : i32 {
      %mul3A_43 = arith.constant 1 : i32
      %mul3A_44 = arith.muli %scan3A_42, %mul3A_43 : i32
      %add3A_45 = arith.constant 0 : i32
      %add3A_46 = arith.addi %add3A_45, %mul3A_44 : i32
      %mul3A_47 = arith.constant 16 : i32
      %mul3A_48 = arith.muli %add3A_46, %mul3A_47 : i32
      %swap3A = arith.index_cast %mul3A_48 : i32 to index
      %swap3A_49 = tpu.vector_load %arg13[%swap3A] {strides = array<i32>} : memref<10000xf32, #tpu.memory_space<vmem>>, vector<16xf32>,
      tpu.vector_store %arg13[%swap3A], %broadcast_in_dim3A_5 {strides = array<i32>} : memref<10000xf32, #tpu.memory_space<vmem>>, vector<16xf32>,
    }
    %scan3A_11 = arith.constant 625 : i32
    %scan3A_12 = arith.constant 0 : i32
    %scan3A_13 = arith.constant 48 : i32
    %scan3A_14 = arith.addi %scan3A_12, %scan3A_13 : i32
    %scan3A_15 = arith.constant 1 : i32
    scf.for %scan3A_42 = %scan3A_12 to %scan3A_14 step %scan3A_15  : i32 {
      %mul3A_43 = arith.constant 1 : i32
      %mul3A_44 = arith.muli %scan3A_42, %mul3A_43 : i32
      %add3A_45 = arith.constant 0 : i32
      %add3A_46 = arith.addi %add3A_45, %mul3A_44 : i32
      %swap3A = arith.index_cast %add3A_46 : i32 to index
      %swap3A_47 = arith.constant 0 : index
      %swap3A_48 = tpu.vector_load %arg12[%swap3A, %swap3A_47] {strides = array<i32>} : memref<48x128xf32, #tpu.memory_space<vmem>>, vector<16xf32>,
      tpu.vector_store %arg12[%swap3A, %swap3A_47], %broadcast_in_dim3A_5 {strides = array<i32>} : memref<48x128xf32, #tpu.memory_space<vmem>>, vector<16xf32>,
      %swap3A_49 = arith.index_cast %add3A_46 : i32 to index
      %swap3A_50 = arith.constant 16 : index
      %swap3A_51 = tpu.vector_load %arg12[%swap3A_49, %swap3A_50] {strides = array<i32>} : memref<48x128xf32, #tpu.memory_space<vmem>>, vector<16xf32>,
      tpu.vector_store %arg12[%swap3A_49, %swap3A_50], %broadcast_in_dim3A_5 {strides = array<i32>} : memref<48x128xf32, #tpu.memory_space<vmem>>, vector<16xf32>,
      %swap3A_52 = arith.index_cast %add3A_46 : i32 to index
      %swap3A_53 = arith.constant 32 : index
      %swap3A_54 = tpu.vector_load %arg12[%swap3A_52, %swap3A_53] {strides = array<i32>} : memref<48x128xf32, #tpu.memory_space<vmem>>, vector<16xf32>,
      tpu.vector_store %arg12[%swap3A_52, %swap3A_53], %broadcast_in_dim3A_5 {strides = array<i32>} : memref<48x128xf32, #tpu.memory_space<vmem>>, vector<16xf32>,
      %swap3A_55 = arith.index_cast %add3A_46 : i32 to index
      %swap3A_56 = arith.constant 48 : index
      %swap3A_57 = tpu.vector_load %arg12[%swap3A_55, %swap3A_56] {strides = array<i32>} : memref<48x128xf32, #tpu.memory_space<vmem>>, vector<16xf32>,
      tpu.vector_store %arg12[%swap3A_55, %swap3A_56], %broadcast_in_dim3A_5 {strides = array<i32>} : memref<48x128xf32, #tpu.memory_space<vmem>>, vector<16xf32>,
      %swap3A_58 = arith.index_cast %add3A_46 : i32 to index
      %swap3A_59 = arith.constant 64 : index
      %swap3A_60 = tpu.vector_load %arg12[%swap3A_58, %swap3A_59] {strides = array<i32>} : memref<48x128xf32, #tpu.memory_space<vmem>>, vector<16xf32>,
      tpu.vector_store %arg12[%swap3A_58, %swap3A_59], %broadcast_in_dim3A_5 {strides = array<i32>} : memref<48x128xf32, #tpu.memory_space<vmem>>, vector<16xf32>,
      %swap3A_61 = arith.index_cast %add3A_46 : i32 to index
      %swap3A_62 = arith.constant 80 : index
      %swap3A_63 = tpu.vector_load %arg12[%swap3A_61, %swap3A_62] {strides = array<i32>} : memref<48x128xf32, #tpu.memory_space<vmem>>, vector<16xf32>,
      tpu.vector_store %arg12[%swap3A_61, %swap3A_62], %broadcast_in_dim3A_5 {strides = array<i32>} : memref<48x128xf32, #tpu.memory_space<vmem>>, vector<16xf32>,
      %swap3A_64 = arith.index_cast %add3A_46 : i32 to index
      %swap3A_65 = arith.constant 96 : index
      %swap3A_66 = tpu.vector_load %arg12[%swap3A_64, %swap3A_65] {strides = array<i32>} : memref<48x128xf32, #tpu.memory_space<vmem>>, vector<16xf32>,
      tpu.vector_store %arg12[%swap3A_64, %swap3A_65], %broadcast_in_dim3A_5 {strides = array<i32>} : memref<48x128xf32, #tpu.memory_space<vmem>>, vector<16xf32>,
      %swap3A_67 = arith.index_cast %add3A_46 : i32 to index
      %swap3A_68 = arith.constant 112 : index
      %swap3A_69 = tpu.vector_load %arg12[%swap3A_67, %swap3A_68] {strides = array<i32>} : memref<48x128xf32, #tpu.memory_space<vmem>>, vector<16xf32>,
      tpu.vector_store %arg12[%swap3A_67, %swap3A_68], %broadcast_in_dim3A_5 {strides = array<i32>} : memref<48x128xf32, #tpu.memory_space<vmem>>, vector<16xf32>,
    }
    %scan3A_16 = arith.constant 48 : i32
    %scan3A_17 = arith.constant 0 : i32
    %scan3A_18 = arith.constant 13 : i32
    %scan3A_19 = arith.addi %scan3A_17, %scan3A_18 : i32
    %scan3A_20 = arith.constant 1 : i32
    scf.for %scan3A_42 = %scan3A_17 to %scan3A_19 step %scan3A_20  : i32 {
      %mul3A_43 = arith.constant 1 : i32
      %mul3A_44 = arith.muli %scan3A_42, %mul3A_43 : i32
      %add3A_45 = arith.constant 0 : i32
      %add3A_46 = arith.addi %add3A_45, %mul3A_44 : i32
      %mul3A_47 = arith.constant 48 : i32
      %mul3A_48 = arith.muli %add3A_46, %mul3A_47 : i32
      %add3A_49 = arith.addi %mul3A_2, %mul3A_48 : i32
      "tpu.region"() ({
        %run_scoped3A = tpu.sem_alloc : memref<!tpu.dma_semaphore, #tpu.memory_space<semaphore_mem>>
        %dma_start3A = arith.constant 0 : i32
        %dma_start3A_50 = tpu.memref_slice %arg14[%add3A_49, %dma_start3A] : memref<10000x128xf32, #tpu.memory_space<vmem_shared>> -> memref<48x128xf32, #tpu.memory_space<vmem_shared>>
        %dma_start3A_51 = arith.constant 0 : i32
        %dma_start3A_52 = tpu.memref_slice %arg14[%add3A_49, %dma_start3A_51] : memref<10000x128xf32, #tpu.memory_space<vmem_shared>> -> memref<48x128xf32, #tpu.memory_space<vmem_shared>>
        tpu.enqueue_dma source(%arg12 : memref<48x128xf32, #tpu.memory_space<vmem>>) target(%dma_start3A_52 : memref<48x128xf32, #tpu.memory_space<vmem_shared>>) target_semaphore(%run_scoped3A : memref<!tpu.dma_semaphore, #tpu.memory_space<semaphore_mem>>)
        %dma_wait3A = arith.constant 0 : i32
        %dma_wait3A_53 = tpu.memref_slice %arg14[%add3A_49, %dma_wait3A] : memref<10000x128xf32, #tpu.memory_space<vmem_shared>> -> memref<48x128xf32, #tpu.memory_space<vmem_shared>>
        %dma_wait3A_54 = arith.constant 0 : i32
        %dma_wait3A_55 = tpu.memref_slice %arg14[%add3A_49, %dma_wait3A_54] : memref<10000x128xf32, #tpu.memory_space<vmem_shared>> -> memref<48x128xf32, #tpu.memory_space<vmem_shared>>
        tpu.wait_dma2 semaphore(%run_scoped3A : memref<!tpu.dma_semaphore, #tpu.memory_space<semaphore_mem>>) src(%arg12 : memref<48x128xf32, #tpu.memory_space<vmem>>) dst(%dma_wait3A_55 : memref<48x128xf32, #tpu.memory_space<vmem_shared>>)
        tpu.yield
      }) : () -> ()
    }
    %scan3A_21 = arith.constant 13 : i32
    %eq3A = arith.constant 15 : i32
    %eq3A_22 = arith.cmpi eq, %arg1, %eq3A : i32
    %convert_element_type3A = arith.extui %eq3A_22 : i1 to i32
    %cond3A = arith.constant 0 : i32
    %cond3A_23 = arith.cmpi ne, %convert_element_type3A, %cond3A : i32
    scf.if %cond3A_23 {
      "tpu.region"() ({
        %run_scoped3A = tpu.sem_alloc : memref<!tpu.dma_semaphore, #tpu.memory_space<semaphore_mem>>
        %dma_start3A = arith.constant 0 : i32
        %dma_start3A_42 = arith.constant 0 : i32
        %dma_start3A_43 = tpu.memref_slice %arg12[%dma_start3A, %dma_start3A_42] : memref<48x128xf32, #tpu.memory_space<vmem>> -> memref<16x128xf32, #tpu.memory_space<vmem>>
        %dma_start3A_44 = arith.constant 9984 : i32
        %dma_start3A_45 = arith.constant 0 : i32
        %dma_start3A_46 = tpu.memref_slice %arg14[%dma_start3A_44, %dma_start3A_45] : memref<10000x128xf32, #tpu.memory_space<vmem_shared>> -> memref<16x128xf32, #tpu.memory_space<vmem_shared>>
        %dma_start3A_47 = arith.constant 9984 : i32
        %dma_start3A_48 = arith.constant 0 : i32
        %dma_start3A_49 = tpu.memref_slice %arg14[%dma_start3A_47, %dma_start3A_48] : memref<10000x128xf32, #tpu.memory_space<vmem_shared>> -> memref<16x128xf32, #tpu.memory_space<vmem_shared>>
        %dma_start3A_50 = arith.constant 0 : i32
        %dma_start3A_51 = arith.constant 0 : i32
        %dma_start3A_52 = tpu.memref_slice %arg12[%dma_start3A_50, %dma_start3A_51] : memref<48x128xf32, #tpu.memory_space<vmem>> -> memref<16x128xf32, #tpu.memory_space<vmem>>
        tpu.enqueue_dma source(%dma_start3A_52 : memref<16x128xf32, #tpu.memory_space<vmem>>) target(%dma_start3A_49 : memref<16x128xf32, #tpu.memory_space<vmem_shared>>) target_semaphore(%run_scoped3A : memref<!tpu.dma_semaphore, #tpu.memory_space<semaphore_mem>>)
        %dma_wait3A = arith.constant 0 : i32
        %dma_wait3A_53 = arith.constant 0 : i32
        %dma_wait3A_54 = tpu.memref_slice %arg12[%dma_wait3A, %dma_wait3A_53] : memref<48x128xf32, #tpu.memory_space<vmem>> -> memref<16x128xf32, #tpu.memory_space<vmem>>
        %dma_wait3A_55 = arith.constant 9984 : i32
        %dma_wait3A_56 = arith.constant 0 : i32
        %dma_wait3A_57 = tpu.memref_slice %arg14[%dma_wait3A_55, %dma_wait3A_56] : memref<10000x128xf32, #tpu.memory_space<vmem_shared>> -> memref<16x128xf32, #tpu.memory_space<vmem_shared>>
        %dma_wait3A_58 = arith.constant 9984 : i32
        %dma_wait3A_59 = arith.constant 0 : i32
        %dma_wait3A_60 = tpu.memref_slice %arg14[%dma_wait3A_58, %dma_wait3A_59] : memref<10000x128xf32, #tpu.memory_space<vmem_shared>> -> memref<16x128xf32, #tpu.memory_space<vmem_shared>>
        %dma_wait3A_61 = arith.constant 0 : i32
        %dma_wait3A_62 = arith.constant 0 : i32
        %dma_wait3A_63 = tpu.memref_slice %arg12[%dma_wait3A_61, %dma_wait3A_62] : memref<48x128xf32, #tpu.memory_space<vmem>> -> memref<16x128xf32, #tpu.memory_space<vmem>>
        tpu.wait_dma2 semaphore(%run_scoped3A : memref<!tpu.dma_semaphore, #tpu.memory_space<semaphore_mem>>) src(%dma_wait3A_63 : memref<16x128xf32, #tpu.memory_space<vmem>>) dst(%dma_wait3A_60 : memref<16x128xf32, #tpu.memory_space<vmem_shared>>)
        tpu.yield
      }) : () -> ()
    } else {
    }
    %barrier3A = arith.constant 0 : index
    tpu.barrier barrier_id(%barrier3A)
    %scan3A_24 = arith.constant 0 : i32
    %scan3A_25 = arith.constant 125 : i32
    %scan3A_26 = arith.addi %scan3A_24, %scan3A_25 : i32
    %scan3A_27 = arith.constant 1 : i32
    scf.for %scan3A_42 = %scan3A_24 to %scan3A_26 step %scan3A_27  : i32 {
      %mul3A_43 = arith.constant 1 : i32
      %mul3A_44 = arith.muli %scan3A_42, %mul3A_43 : i32
      %add3A_45 = arith.constant 0 : i32
      %add3A_46 = arith.addi %add3A_45, %mul3A_44 : i32
      %mul3A_47 = arith.constant 80 : i32
      %mul3A_48 = arith.muli %add3A_46, %mul3A_47 : i32
      %add3A_49 = arith.addi %mul3A_4, %mul3A_48 : i32
      "tpu.region"() ({
        %run_scoped3A = tpu.sem_alloc : memref<!tpu.dma_semaphore, #tpu.memory_space<semaphore_mem>>
        %dma_start3A_74 = tpu.memref_slice %arg4[%add3A_49] : memref<320000xi32, #tpu.memory_space<hbm>> -> memref<80xi32, #tpu.memory_space<hbm>>
        %dma_start3A_75 = tpu.memref_slice %arg4[%add3A_49] : memref<320000xi32, #tpu.memory_space<hbm>> -> memref<80xi32, #tpu.memory_space<hbm>>
        tpu.enqueue_dma source(%dma_start3A_75 : memref<80xi32, #tpu.memory_space<hbm>>) target(%arg8 : memref<80xi32, #tpu.memory_space<vmem>>) target_semaphore(%run_scoped3A : memref<!tpu.dma_semaphore, #tpu.memory_space<semaphore_mem>>)
        %dma_wait3A_76 = tpu.memref_slice %arg4[%add3A_49] : memref<320000xi32, #tpu.memory_space<hbm>> -> memref<80xi32, #tpu.memory_space<hbm>>
        %dma_wait3A_77 = tpu.memref_slice %arg4[%add3A_49] : memref<320000xi32, #tpu.memory_space<hbm>> -> memref<80xi32, #tpu.memory_space<hbm>>
        tpu.wait_dma2 semaphore(%run_scoped3A : memref<!tpu.dma_semaphore, #tpu.memory_space<semaphore_mem>>) src(%dma_wait3A_77 : memref<80xi32, #tpu.memory_space<hbm>>) dst(%arg8 : memref<80xi32, #tpu.memory_space<vmem>>)
        tpu.yield
      }) : () -> ()
      "tpu.region"() ({
        %run_scoped3A = tpu.sem_alloc : memref<!tpu.dma_semaphore, #tpu.memory_space<semaphore_mem>>
        %dma_start3A_74 = tpu.memref_slice %arg5[%add3A_49] : memref<320000xi32, #tpu.memory_space<hbm>> -> memref<80xi32, #tpu.memory_space<hbm>>
        %dma_start3A_75 = tpu.memref_slice %arg5[%add3A_49] : memref<320000xi32, #tpu.memory_space<hbm>> -> memref<80xi32, #tpu.memory_space<hbm>>
        tpu.enqueue_dma source(%dma_start3A_75 : memref<80xi32, #tpu.memory_space<hbm>>) target(%arg9 : memref<80xi32, #tpu.memory_space<vmem>>) target_semaphore(%run_scoped3A : memref<!tpu.dma_semaphore, #tpu.memory_space<semaphore_mem>>)
        %dma_wait3A_76 = tpu.memref_slice %arg5[%add3A_49] : memref<320000xi32, #tpu.memory_space<hbm>> -> memref<80xi32, #tpu.memory_space<hbm>>
        %dma_wait3A_77 = tpu.memref_slice %arg5[%add3A_49] : memref<320000xi32, #tpu.memory_space<hbm>> -> memref<80xi32, #tpu.memory_space<hbm>>
        tpu.wait_dma2 semaphore(%run_scoped3A : memref<!tpu.dma_semaphore, #tpu.memory_space<semaphore_mem>>) src(%dma_wait3A_77 : memref<80xi32, #tpu.memory_space<hbm>>) dst(%arg9 : memref<80xi32, #tpu.memory_space<vmem>>)
        tpu.yield
      }) : () -> ()
      %dma_start3A = arith.constant 0 : i32
      %dma_start3A_50 = arith.constant 0 : i32
      %dma_start3A_51 = tpu.memref_slice %arg2[%dma_start3A, %dma_start3A_50] : memref<10000x128xf32, #tpu.memory_space<hbm>> -> memref<10000x128xf32, #tpu.memory_space<hbm>>
      tpu.enqueue_indirect_dma source(%dma_start3A_51 : memref<10000x128xf32, #tpu.memory_space<hbm>>) target(%arg10 : memref<80x128xf32, #tpu.memory_space<vmem>>) offsets(%arg8 : memref<80xi32, #tpu.memory_space<vmem>>) semaphore(%arg15 : memref<!tpu.dma_semaphore, #tpu.memory_space<semaphore_mem>>)
      %dma_start3A_52 = arith.constant 0 : i32
      %dma_start3A_53 = arith.constant 0 : i32
      %dma_start3A_54 = tpu.memref_slice %arg3[%dma_start3A_52, %dma_start3A_53] : memref<10000x128xf32, #tpu.memory_space<hbm>> -> memref<10000x128xf32, #tpu.memory_space<hbm>>
      tpu.enqueue_indirect_dma source(%dma_start3A_54 : memref<10000x128xf32, #tpu.memory_space<hbm>>) target(%arg11 : memref<80x128xf32, #tpu.memory_space<vmem>>) offsets(%arg9 : memref<80xi32, #tpu.memory_space<vmem>>) semaphore(%arg16 : memref<!tpu.dma_semaphore, #tpu.memory_space<semaphore_mem>>)
      %get3A = arith.constant 0 : index
      %get3A_55 = tpu.vector_load %arg9[%get3A] {strides = array<i32>} : memref<80xi32, #tpu.memory_space<vmem>>, vector<16xi32>,
      tpu.vector_store_idx %arg13[%get3A_55], %broadcast_in_dim3A_7 {add = true} : memref<10000xf32, #tpu.memory_space<vmem>>[vector<16xi32>], vector<16xf32>,
      %get3A_56 = arith.constant 16 : index
      %get3A_57 = tpu.vector_load %arg9[%get3A_56] {strides = array<i32>} : memref<80xi32, #tpu.memory_space<vmem>>, vector<16xi32>,
      tpu.vector_store_idx %arg13[%get3A_57], %broadcast_in_dim3A_7 {add = true} : memref<10000xf32, #tpu.memory_space<vmem>>[vector<16xi32>], vector<16xf32>,
      %get3A_58 = arith.constant 32 : index
      %get3A_59 = tpu.vector_load %arg9[%get3A_58] {strides = array<i32>} : memref<80xi32, #tpu.memory_space<vmem>>, vector<16xi32>,
      tpu.vector_store_idx %arg13[%get3A_59], %broadcast_in_dim3A_7 {add = true} : memref<10000xf32, #tpu.memory_space<vmem>>[vector<16xi32>], vector<16xf32>,
      %get3A_60 = arith.constant 48 : index
      %get3A_61 = tpu.vector_load %arg9[%get3A_60] {strides = array<i32>} : memref<80xi32, #tpu.memory_space<vmem>>, vector<16xi32>,
      tpu.vector_store_idx %arg13[%get3A_61], %broadcast_in_dim3A_7 {add = true} : memref<10000xf32, #tpu.memory_space<vmem>>[vector<16xi32>], vector<16xf32>,
      %get3A_62 = arith.constant 64 : index
      %get3A_63 = tpu.vector_load %arg9[%get3A_62] {strides = array<i32>} : memref<80xi32, #tpu.memory_space<vmem>>, vector<16xi32>,
      tpu.vector_store_idx %arg13[%get3A_63], %broadcast_in_dim3A_7 {add = true} : memref<10000xf32, #tpu.memory_space<vmem>>[vector<16xi32>], vector<16xf32>,
      %dma_wait3A = arith.constant 0 : i32
      %dma_wait3A_64 = arith.constant 0 : i32
      %dma_wait3A_65 = tpu.memref_slice %arg2[%dma_wait3A, %dma_wait3A_64] : memref<10000x128xf32, #tpu.memory_space<hbm>> -> memref<10000x128xf32, #tpu.memory_space<hbm>>
      tpu.wait_indirect_dma semaphore(%arg15 : memref<!tpu.dma_semaphore, #tpu.memory_space<semaphore_mem>>) src(%dma_wait3A_65 : memref<10000x128xf32, #tpu.memory_space<hbm>>) dst(%arg10 : memref<80x128xf32, #tpu.memory_space<vmem>>)
      %dma_wait3A_66 = arith.constant 0 : i32
      %dma_wait3A_67 = arith.constant 0 : i32
      %dma_wait3A_68 = tpu.memref_slice %arg3[%dma_wait3A_66, %dma_wait3A_67] : memref<10000x128xf32, #tpu.memory_space<hbm>> -> memref<10000x128xf32, #tpu.memory_space<hbm>>
      tpu.wait_indirect_dma semaphore(%arg16 : memref<!tpu.dma_semaphore, #tpu.memory_space<semaphore_mem>>) src(%dma_wait3A_68 : memref<10000x128xf32, #tpu.memory_space<hbm>>) dst(%arg11 : memref<80x128xf32, #tpu.memory_space<vmem>>)
      %scan3A_69 = arith.constant 0 : i32
      %scan3A_70 = arith.constant 80 : i32
      %scan3A_71 = arith.addi %scan3A_69, %scan3A_70 : i32
      %scan3A_72 = arith.constant 1 : i32
      scf.for %scan3A_74 = %scan3A_69 to %scan3A_71 step %scan3A_72  : i32 {
        %mul3A_75 = arith.constant 1 : i32
        %mul3A_76 = arith.muli %scan3A_74, %mul3A_75 : i32
        %add3A_77 = arith.constant 0 : i32
        %add3A_78 = arith.addi %add3A_77, %mul3A_76 : i32
        %get3A_79 = arith.index_cast %add3A_78 : i32 to index
        %get3A_80 = arith.constant 0 : index
        %get3A_81 = tpu.vector_load %arg10[%get3A_79, %get3A_80] {strides = array<i32>} : memref<80x128xf32, #tpu.memory_space<vmem>>, vector<16xf32>,
        %get3A_82 = arith.index_cast %add3A_78 : i32 to index
        %get3A_83 = arith.constant 0 : index
        %get3A_84 = tpu.vector_load %arg11[%get3A_82, %get3A_83] {strides = array<i32>} : memref<80x128xf32, #tpu.memory_space<vmem>>, vector<16xf32>,
        %add3A_85 = arith.addf %get3A_81, %get3A_84 : vector<16xf32>
        %mul3A_86 = arith.constant -1.702000e+00 : f32
        %mul3A_87 = vector.broadcast %mul3A_86 : f32 to vector<16xf32>
        %mul3A_88 = arith.mulf %mul3A_87, %add3A_85 : vector<16xf32>
        %exp3A = math.exp %mul3A_88 : vector<16xf32>
        %add3A_89 = arith.constant 1.000000e+00 : f32
        %add3A_90 = vector.broadcast %add3A_89 : f32 to vector<16xf32>
        %add3A_91 = arith.addf %add3A_90, %exp3A : vector<16xf32>
        %div3A = arith.divf %add3A_85, %add3A_91 : vector<16xf32>
        %swap3A = arith.index_cast %add3A_78 : i32 to index
        %swap3A_92 = arith.constant 0 : index
        %swap3A_93 = tpu.vector_load %arg10[%swap3A, %swap3A_92] {strides = array<i32>} : memref<80x128xf32, #tpu.memory_space<vmem>>, vector<16xf32>,
        tpu.vector_store %arg10[%swap3A, %swap3A_92], %div3A {strides = array<i32>} : memref<80x128xf32, #tpu.memory_space<vmem>>, vector<16xf32>,
        %get3A_94 = arith.index_cast %add3A_78 : i32 to index
        %get3A_95 = arith.constant 16 : index
        %get3A_96 = tpu.vector_load %arg10[%get3A_94, %get3A_95] {strides = array<i32>} : memref<80x128xf32, #tpu.memory_space<vmem>>, vector<16xf32>,
        %get3A_97 = arith.index_cast %add3A_78 : i32 to index
        %get3A_98 = arith.constant 16 : index
        %get3A_99 = tpu.vector_load %arg11[%get3A_97, %get3A_98] {strides = array<i32>} : memref<80x128xf32, #tpu.memory_space<vmem>>, vector<16xf32>,
        %add3A_100 = arith.addf %get3A_96, %get3A_99 : vector<16xf32>
        %mul3A_101 = arith.constant -1.702000e+00 : f32
        %mul3A_102 = vector.broadcast %mul3A_101 : f32 to vector<16xf32>
        %mul3A_103 = arith.mulf %mul3A_102, %add3A_100 : vector<16xf32>
        %exp3A_104 = math.exp %mul3A_103 : vector<16xf32>
        %add3A_105 = arith.constant 1.000000e+00 : f32
        %add3A_106 = vector.broadcast %add3A_105 : f32 to vector<16xf32>
        %add3A_107 = arith.addf %add3A_106, %exp3A_104 : vector<16xf32>
        %div3A_108 = arith.divf %add3A_100, %add3A_107 : vector<16xf32>
        %swap3A_109 = arith.index_cast %add3A_78 : i32 to index
        %swap3A_110 = arith.constant 16 : index
        %swap3A_111 = tpu.vector_load %arg10[%swap3A_109, %swap3A_110] {strides = array<i32>} : memref<80x128xf32, #tpu.memory_space<vmem>>, vector<16xf32>,
        tpu.vector_store %arg10[%swap3A_109, %swap3A_110], %div3A_108 {strides = array<i32>} : memref<80x128xf32, #tpu.memory_space<vmem>>, vector<16xf32>,
        %get3A_112 = arith.index_cast %add3A_78 : i32 to index
        %get3A_113 = arith.constant 32 : index
        %get3A_114 = tpu.vector_load %arg10[%get3A_112, %get3A_113] {strides = array<i32>} : memref<80x128xf32, #tpu.memory_space<vmem>>, vector<16xf32>,
        %get3A_115 = arith.index_cast %add3A_78 : i32 to index
        %get3A_116 = arith.constant 32 : index
        %get3A_117 = tpu.vector_load %arg11[%get3A_115, %get3A_116] {strides = array<i32>} : memref<80x128xf32, #tpu.memory_space<vmem>>, vector<16xf32>,
        %add3A_118 = arith.addf %get3A_114, %get3A_117 : vector<16xf32>
        %mul3A_119 = arith.constant -1.702000e+00 : f32
        %mul3A_120 = vector.broadcast %mul3A_119 : f32 to vector<16xf32>
        %mul3A_121 = arith.mulf %mul3A_120, %add3A_118 : vector<16xf32>
        %exp3A_122 = math.exp %mul3A_121 : vector<16xf32>
        %add3A_123 = arith.constant 1.000000e+00 : f32
        %add3A_124 = vector.broadcast %add3A_123 : f32 to vector<16xf32>
        %add3A_125 = arith.addf %add3A_124, %exp3A_122 : vector<16xf32>
        %div3A_126 = arith.divf %add3A_118, %add3A_125 : vector<16xf32>
        %swap3A_127 = arith.index_cast %add3A_78 : i32 to index
        %swap3A_128 = arith.constant 32 : index
        %swap3A_129 = tpu.vector_load %arg10[%swap3A_127, %swap3A_128] {strides = array<i32>} : memref<80x128xf32, #tpu.memory_space<vmem>>, vector<16xf32>,
        tpu.vector_store %arg10[%swap3A_127, %swap3A_128], %div3A_126 {strides = array<i32>} : memref<80x128xf32, #tpu.memory_space<vmem>>, vector<16xf32>,
        %get3A_130 = arith.index_cast %add3A_78 : i32 to index
        %get3A_131 = arith.constant 48 : index
        %get3A_132 = tpu.vector_load %arg10[%get3A_130, %get3A_131] {strides = array<i32>} : memref<80x128xf32, #tpu.memory_space<vmem>>, vector<16xf32>,
        %get3A_133 = arith.index_cast %add3A_78 : i32 to index
        %get3A_134 = arith.constant 48 : index
        %get3A_135 = tpu.vector_load %arg11[%get3A_133, %get3A_134] {strides = array<i32>} : memref<80x128xf32, #tpu.memory_space<vmem>>, vector<16xf32>,
        %add3A_136 = arith.addf %get3A_132, %get3A_135 : vector<16xf32>
        %mul3A_137 = arith.constant -1.702000e+00 : f32
        %mul3A_138 = vector.broadcast %mul3A_137 : f32 to vector<16xf32>
        %mul3A_139 = arith.mulf %mul3A_138, %add3A_136 : vector<16xf32>
        %exp3A_140 = math.exp %mul3A_139 : vector<16xf32>
        %add3A_141 = arith.constant 1.000000e+00 : f32
        %add3A_142 = vector.broadcast %add3A_141 : f32 to vector<16xf32>
        %add3A_143 = arith.addf %add3A_142, %exp3A_140 : vector<16xf32>
        %div3A_144 = arith.divf %add3A_136, %add3A_143 : vector<16xf32>
        %swap3A_145 = arith.index_cast %add3A_78 : i32 to index
        %swap3A_146 = arith.constant 48 : index
        %swap3A_147 = tpu.vector_load %arg10[%swap3A_145, %swap3A_146] {strides = array<i32>} : memref<80x128xf32, #tpu.memory_space<vmem>>, vector<16xf32>,
        tpu.vector_store %arg10[%swap3A_145, %swap3A_146], %div3A_144 {strides = array<i32>} : memref<80x128xf32, #tpu.memory_space<vmem>>, vector<16xf32>,
        %get3A_148 = arith.index_cast %add3A_78 : i32 to index
        %get3A_149 = arith.constant 64 : index
        %get3A_150 = tpu.vector_load %arg10[%get3A_148, %get3A_149] {strides = array<i32>} : memref<80x128xf32, #tpu.memory_space<vmem>>, vector<16xf32>,
        %get3A_151 = arith.index_cast %add3A_78 : i32 to index
        %get3A_152 = arith.constant 64 : index
        %get3A_153 = tpu.vector_load %arg11[%get3A_151, %get3A_152] {strides = array<i32>} : memref<80x128xf32, #tpu.memory_space<vmem>>, vector<16xf32>,
        %add3A_154 = arith.addf %get3A_150, %get3A_153 : vector<16xf32>
        %mul3A_155 = arith.constant -1.702000e+00 : f32
        %mul3A_156 = vector.broadcast %mul3A_155 : f32 to vector<16xf32>
        %mul3A_157 = arith.mulf %mul3A_156, %add3A_154 : vector<16xf32>
        %exp3A_158 = math.exp %mul3A_157 : vector<16xf32>
        %add3A_159 = arith.constant 1.000000e+00 : f32
        %add3A_160 = vector.broadcast %add3A_159 : f32 to vector<16xf32>
        %add3A_161 = arith.addf %add3A_160, %exp3A_158 : vector<16xf32>
        %div3A_162 = arith.divf %add3A_154, %add3A_161 : vector<16xf32>
        %swap3A_163 = arith.index_cast %add3A_78 : i32 to index
        %swap3A_164 = arith.constant 64 : index
        %swap3A_165 = tpu.vector_load %arg10[%swap3A_163, %swap3A_164] {strides = array<i32>} : memref<80x128xf32, #tpu.memory_space<vmem>>, vector<16xf32>,
        tpu.vector_store %arg10[%swap3A_163, %swap3A_164], %div3A_162 {strides = array<i32>} : memref<80x128xf32, #tpu.memory_space<vmem>>, vector<16xf32>,
        %get3A_166 = arith.index_cast %add3A_78 : i32 to index
        %get3A_167 = arith.constant 80 : index
        %get3A_168 = tpu.vector_load %arg10[%get3A_166, %get3A_167] {strides = array<i32>} : memref<80x128xf32, #tpu.memory_space<vmem>>, vector<16xf32>,
        %get3A_169 = arith.index_cast %add3A_78 : i32 to index
        %get3A_170 = arith.constant 80 : index
        %get3A_171 = tpu.vector_load %arg11[%get3A_169, %get3A_170] {strides = array<i32>} : memref<80x128xf32, #tpu.memory_space<vmem>>, vector<16xf32>,
        %add3A_172 = arith.addf %get3A_168, %get3A_171 : vector<16xf32>
        %mul3A_173 = arith.constant -1.702000e+00 : f32
        %mul3A_174 = vector.broadcast %mul3A_173 : f32 to vector<16xf32>
        %mul3A_175 = arith.mulf %mul3A_174, %add3A_172 : vector<16xf32>
        %exp3A_176 = math.exp %mul3A_175 : vector<16xf32>
        %add3A_177 = arith.constant 1.000000e+00 : f32
        %add3A_178 = vector.broadcast %add3A_177 : f32 to vector<16xf32>
        %add3A_179 = arith.addf %add3A_178, %exp3A_176 : vector<16xf32>
        %div3A_180 = arith.divf %add3A_172, %add3A_179 : vector<16xf32>
        %swap3A_181 = arith.index_cast %add3A_78 : i32 to index
        %swap3A_182 = arith.constant 80 : index
        %swap3A_183 = tpu.vector_load %arg10[%swap3A_181, %swap3A_182] {strides = array<i32>} : memref<80x128xf32, #tpu.memory_space<vmem>>, vector<16xf32>,
        tpu.vector_store %arg10[%swap3A_181, %swap3A_182], %div3A_180 {strides = array<i32>} : memref<80x128xf32, #tpu.memory_space<vmem>>, vector<16xf32>,
        %get3A_184 = arith.index_cast %add3A_78 : i32 to index
        %get3A_185 = arith.constant 96 : index
        %get3A_186 = tpu.vector_load %arg10[%get3A_184, %get3A_185] {strides = array<i32>} : memref<80x128xf32, #tpu.memory_space<vmem>>, vector<16xf32>,
        %get3A_187 = arith.index_cast %add3A_78 : i32 to index
        %get3A_188 = arith.constant 96 : index
        %get3A_189 = tpu.vector_load %arg11[%get3A_187, %get3A_188] {strides = array<i32>} : memref<80x128xf32, #tpu.memory_space<vmem>>, vector<16xf32>,
        %add3A_190 = arith.addf %get3A_186, %get3A_189 : vector<16xf32>
        %mul3A_191 = arith.constant -1.702000e+00 : f32
        %mul3A_192 = vector.broadcast %mul3A_191 : f32 to vector<16xf32>
        %mul3A_193 = arith.mulf %mul3A_192, %add3A_190 : vector<16xf32>
        %exp3A_194 = math.exp %mul3A_193 : vector<16xf32>
        %add3A_195 = arith.constant 1.000000e+00 : f32
        %add3A_196 = vector.broadcast %add3A_195 : f32 to vector<16xf32>
        %add3A_197 = arith.addf %add3A_196, %exp3A_194 : vector<16xf32>
        %div3A_198 = arith.divf %add3A_190, %add3A_197 : vector<16xf32>
        %swap3A_199 = arith.index_cast %add3A_78 : i32 to index
        %swap3A_200 = arith.constant 96 : index
        %swap3A_201 = tpu.vector_load %arg10[%swap3A_199, %swap3A_200] {strides = array<i32>} : memref<80x128xf32, #tpu.memory_space<vmem>>, vector<16xf32>,
        tpu.vector_store %arg10[%swap3A_199, %swap3A_200], %div3A_198 {strides = array<i32>} : memref<80x128xf32, #tpu.memory_space<vmem>>, vector<16xf32>,
        %get3A_202 = arith.index_cast %add3A_78 : i32 to index
        %get3A_203 = arith.constant 112 : index
        %get3A_204 = tpu.vector_load %arg10[%get3A_202, %get3A_203] {strides = array<i32>} : memref<80x128xf32, #tpu.memory_space<vmem>>, vector<16xf32>,
        %get3A_205 = arith.index_cast %add3A_78 : i32 to index
        %get3A_206 = arith.constant 112 : index
        %get3A_207 = tpu.vector_load %arg11[%get3A_205, %get3A_206] {strides = array<i32>} : memref<80x128xf32, #tpu.memory_space<vmem>>, vector<16xf32>,
        %add3A_208 = arith.addf %get3A_204, %get3A_207 : vector<16xf32>
        %mul3A_209 = arith.constant -1.702000e+00 : f32
        %mul3A_210 = vector.broadcast %mul3A_209 : f32 to vector<16xf32>
        %mul3A_211 = arith.mulf %mul3A_210, %add3A_208 : vector<16xf32>
        %exp3A_212 = math.exp %mul3A_211 : vector<16xf32>
        %add3A_213 = arith.constant 1.000000e+00 : f32
        %add3A_214 = vector.broadcast %add3A_213 : f32 to vector<16xf32>
        %add3A_215 = arith.addf %add3A_214, %exp3A_212 : vector<16xf32>
        %div3A_216 = arith.divf %add3A_208, %add3A_215 : vector<16xf32>
        %swap3A_217 = arith.index_cast %add3A_78 : i32 to index
        %swap3A_218 = arith.constant 112 : index
        %swap3A_219 = tpu.vector_load %arg10[%swap3A_217, %swap3A_218] {strides = array<i32>} : memref<80x128xf32, #tpu.memory_space<vmem>>, vector<16xf32>,
        tpu.vector_store %arg10[%swap3A_217, %swap3A_218], %div3A_216 {strides = array<i32>} : memref<80x128xf32, #tpu.memory_space<vmem>>, vector<16xf32>,
      }
      %scan3A_73 = arith.constant 80 : i32
      "tpu.region"() ({
        %run_scoped3A = tpu.sem_alloc : memref<!tpu.dma_semaphore, #tpu.memory_space<semaphore_mem>>
        %dma_start3A_74 = arith.constant 0 : i32
        %dma_start3A_75 = arith.constant 0 : i32
        %dma_start3A_76 = tpu.memref_slice %arg14[%dma_start3A_74, %dma_start3A_75] : memref<10000x128xf32, #tpu.memory_space<vmem_shared>> -> memref<10000x128xf32, #tpu.memory_space<vmem_shared>>
        tpu.enqueue_indirect_dma source(%arg10 : memref<80x128xf32, #tpu.memory_space<vmem>>) target(%dma_start3A_76 : memref<10000x128xf32, #tpu.memory_space<vmem_shared>>) offsets(%arg9 : memref<80xi32, #tpu.memory_space<vmem>>) semaphore(%run_scoped3A : memref<!tpu.dma_semaphore, #tpu.memory_space<semaphore_mem>>) {add = true}
        %dma_wait3A_77 = arith.constant 0 : i32
        %dma_wait3A_78 = arith.constant 0 : i32
        %dma_wait3A_79 = tpu.memref_slice %arg14[%dma_wait3A_77, %dma_wait3A_78] : memref<10000x128xf32, #tpu.memory_space<vmem_shared>> -> memref<10000x128xf32, #tpu.memory_space<vmem_shared>>
        tpu.wait_indirect_dma semaphore(%run_scoped3A : memref<!tpu.dma_semaphore, #tpu.memory_space<semaphore_mem>>) src(%arg10 : memref<80x128xf32, #tpu.memory_space<vmem>>) dst(%dma_wait3A_79 : memref<10000x128xf32, #tpu.memory_space<vmem_shared>>)
        tpu.yield
      }) : () -> ()
    }
    %scan3A_28 = arith.constant 125 : i32
    %barrier3A_29 = arith.constant 0 : index
    tpu.barrier barrier_id(%barrier3A_29)
    %scan3A_30 = arith.constant 0 : i32
    %scan3A_31 = arith.constant 13 : i32
    %scan3A_32 = arith.addi %scan3A_30, %scan3A_31 : i32
    %scan3A_33 = arith.constant 1 : i32
    scf.for %scan3A_42 = %scan3A_30 to %scan3A_32 step %scan3A_33  : i32 {
      %mul3A_43 = arith.constant 1 : i32
      %mul3A_44 = arith.muli %scan3A_42, %mul3A_43 : i32
      %add3A_45 = arith.constant 0 : i32
      %add3A_46 = arith.addi %add3A_45, %mul3A_44 : i32
      %mul3A_47 = arith.constant 48 : i32
      %mul3A_48 = arith.muli %add3A_46, %mul3A_47 : i32
      %add3A_49 = arith.addi %mul3A_2, %mul3A_48 : i32
      %mul3A_50 = arith.constant 10000 : i32
      %mul3A_51 = arith.muli %arg0, %mul3A_50 : i32
      %add3A_52 = arith.addi %mul3A_51, %add3A_49 : i32
      "tpu.region"() ({
        %run_scoped3A = tpu.sem_alloc : memref<!tpu.dma_semaphore, #tpu.memory_space<semaphore_mem>>
        %dma_start3A = arith.constant 0 : i32
        %dma_start3A_53 = tpu.memref_slice %arg14[%add3A_49, %dma_start3A] : memref<10000x128xf32, #tpu.memory_space<vmem_shared>> -> memref<48x128xf32, #tpu.memory_space<vmem_shared>>
        %dma_start3A_54 = arith.constant 0 : i32
        %dma_start3A_55 = tpu.memref_slice %arg14[%add3A_49, %dma_start3A_54] : memref<10000x128xf32, #tpu.memory_space<vmem_shared>> -> memref<48x128xf32, #tpu.memory_space<vmem_shared>>
        tpu.enqueue_dma source(%dma_start3A_55 : memref<48x128xf32, #tpu.memory_space<vmem_shared>>) target(%arg12 : memref<48x128xf32, #tpu.memory_space<vmem>>) target_semaphore(%run_scoped3A : memref<!tpu.dma_semaphore, #tpu.memory_space<semaphore_mem>>)
        %dma_wait3A = arith.constant 0 : i32
        %dma_wait3A_56 = tpu.memref_slice %arg14[%add3A_49, %dma_wait3A] : memref<10000x128xf32, #tpu.memory_space<vmem_shared>> -> memref<48x128xf32, #tpu.memory_space<vmem_shared>>
        %dma_wait3A_57 = arith.constant 0 : i32
        %dma_wait3A_58 = tpu.memref_slice %arg14[%add3A_49, %dma_wait3A_57] : memref<10000x128xf32, #tpu.memory_space<vmem_shared>> -> memref<48x128xf32, #tpu.memory_space<vmem_shared>>
        tpu.wait_dma2 semaphore(%run_scoped3A : memref<!tpu.dma_semaphore, #tpu.memory_space<semaphore_mem>>) src(%dma_wait3A_58 : memref<48x128xf32, #tpu.memory_space<vmem_shared>>) dst(%arg12 : memref<48x128xf32, #tpu.memory_space<vmem>>)
        tpu.yield
      }) : () -> ()
      "tpu.region"() ({
        %run_scoped3A = tpu.sem_alloc : memref<!tpu.dma_semaphore, #tpu.memory_space<semaphore_mem>>
        %dma_start3A = arith.constant 0 : i32
        %dma_start3A_53 = tpu.memref_slice %arg6[%add3A_52, %dma_start3A] : memref<20000x128xf32, #tpu.memory_space<hbm>> -> memref<48x128xf32, #tpu.memory_space<hbm>>
        %dma_start3A_54 = arith.constant 0 : i32
        %dma_start3A_55 = tpu.memref_slice %arg6[%add3A_52, %dma_start3A_54] : memref<20000x128xf32, #tpu.memory_space<hbm>> -> memref<48x128xf32, #tpu.memory_space<hbm>>
        tpu.enqueue_dma source(%arg12 : memref<48x128xf32, #tpu.memory_space<vmem>>) target(%dma_start3A_55 : memref<48x128xf32, #tpu.memory_space<hbm>>) target_semaphore(%run_scoped3A : memref<!tpu.dma_semaphore, #tpu.memory_space<semaphore_mem>>)
        %dma_wait3A = arith.constant 0 : i32
        %dma_wait3A_56 = tpu.memref_slice %arg6[%add3A_52, %dma_wait3A] : memref<20000x128xf32, #tpu.memory_space<hbm>> -> memref<48x128xf32, #tpu.memory_space<hbm>>
        %dma_wait3A_57 = arith.constant 0 : i32
        %dma_wait3A_58 = tpu.memref_slice %arg6[%add3A_52, %dma_wait3A_57] : memref<20000x128xf32, #tpu.memory_space<hbm>> -> memref<48x128xf32, #tpu.memory_space<hbm>>
        tpu.wait_dma2 semaphore(%run_scoped3A : memref<!tpu.dma_semaphore, #tpu.memory_space<semaphore_mem>>) src(%arg12 : memref<48x128xf32, #tpu.memory_space<vmem>>) dst(%dma_wait3A_58 : memref<48x128xf32, #tpu.memory_space<hbm>>)
        tpu.yield
      }) : () -> ()
    }
    %scan3A_34 = arith.constant 13 : i32
    %eq3A_35 = arith.constant 15 : i32
    %eq3A_36 = arith.cmpi eq, %arg1, %eq3A_35 : i32
    %convert_element_type3A_37 = arith.extui %eq3A_36 : i1 to i32
    %cond3A_38 = arith.constant 0 : i32
    %cond3A_39 = arith.cmpi ne, %convert_element_type3A_37, %cond3A_38 : i32
    scf.if %cond3A_39 {
      %mul3A_42 = arith.constant 10000 : i32
      %mul3A_43 = arith.muli %arg0, %mul3A_42 : i32
      %add3A_44 = arith.constant 9984 : i32
      %add3A_45 = arith.addi %mul3A_43, %add3A_44 : i32
      "tpu.region"() ({
        %run_scoped3A = tpu.sem_alloc : memref<!tpu.dma_semaphore, #tpu.memory_space<semaphore_mem>>
        %dma_start3A = arith.constant 0 : i32
        %dma_start3A_46 = arith.constant 0 : i32
        %dma_start3A_47 = tpu.memref_slice %arg12[%dma_start3A, %dma_start3A_46] : memref<48x128xf32, #tpu.memory_space<vmem>> -> memref<16x128xf32, #tpu.memory_space<vmem>>
        %dma_start3A_48 = arith.constant 9984 : i32
        %dma_start3A_49 = arith.constant 0 : i32
        %dma_start3A_50 = tpu.memref_slice %arg14[%dma_start3A_48, %dma_start3A_49] : memref<10000x128xf32, #tpu.memory_space<vmem_shared>> -> memref<16x128xf32, #tpu.memory_space<vmem_shared>>
        %dma_start3A_51 = arith.constant 0 : i32
        %dma_start3A_52 = arith.constant 0 : i32
        %dma_start3A_53 = tpu.memref_slice %arg12[%dma_start3A_51, %dma_start3A_52] : memref<48x128xf32, #tpu.memory_space<vmem>> -> memref<16x128xf32, #tpu.memory_space<vmem>>
        %dma_start3A_54 = arith.constant 9984 : i32
        %dma_start3A_55 = arith.constant 0 : i32
        %dma_start3A_56 = tpu.memref_slice %arg14[%dma_start3A_54, %dma_start3A_55] : memref<10000x128xf32, #tpu.memory_space<vmem_shared>> -> memref<16x128xf32, #tpu.memory_space<vmem_shared>>
        tpu.enqueue_dma source(%dma_start3A_56 : memref<16x128xf32, #tpu.memory_space<vmem_shared>>) target(%dma_start3A_53 : memref<16x128xf32, #tpu.memory_space<vmem>>) target_semaphore(%run_scoped3A : memref<!tpu.dma_semaphore, #tpu.memory_space<semaphore_mem>>)
        %dma_wait3A = arith.constant 0 : i32
        %dma_wait3A_57 = arith.constant 0 : i32
        %dma_wait3A_58 = tpu.memref_slice %arg12[%dma_wait3A, %dma_wait3A_57] : memref<48x128xf32, #tpu.memory_space<vmem>> -> memref<16x128xf32, #tpu.memory_space<vmem>>
        %dma_wait3A_59 = arith.constant 9984 : i32
        %dma_wait3A_60 = arith.constant 0 : i32
        %dma_wait3A_61 = tpu.memref_slice %arg14[%dma_wait3A_59, %dma_wait3A_60] : memref<10000x128xf32, #tpu.memory_space<vmem_shared>> -> memref<16x128xf32, #tpu.memory_space<vmem_shared>>
        %dma_wait3A_62 = arith.constant 0 : i32
        %dma_wait3A_63 = arith.constant 0 : i32
        %dma_wait3A_64 = tpu.memref_slice %arg12[%dma_wait3A_62, %dma_wait3A_63] : memref<48x128xf32, #tpu.memory_space<vmem>> -> memref<16x128xf32, #tpu.memory_space<vmem>>
        %dma_wait3A_65 = arith.constant 9984 : i32
        %dma_wait3A_66 = arith.constant 0 : i32
        %dma_wait3A_67 = tpu.memref_slice %arg14[%dma_wait3A_65, %dma_wait3A_66] : memref<10000x128xf32, #tpu.memory_space<vmem_shared>> -> memref<16x128xf32, #tpu.memory_space<vmem_shared>>
        tpu.wait_dma2 semaphore(%run_scoped3A : memref<!tpu.dma_semaphore, #tpu.memory_space<semaphore_mem>>) src(%dma_wait3A_67 : memref<16x128xf32, #tpu.memory_space<vmem_shared>>) dst(%dma_wait3A_64 : memref<16x128xf32, #tpu.memory_space<vmem>>)
        tpu.yield
      }) : () -> ()
      "tpu.region"() ({
        %run_scoped3A = tpu.sem_alloc : memref<!tpu.dma_semaphore, #tpu.memory_space<semaphore_mem>>
        %dma_start3A = arith.constant 0 : i32
        %dma_start3A_46 = arith.constant 0 : i32
        %dma_start3A_47 = tpu.memref_slice %arg12[%dma_start3A, %dma_start3A_46] : memref<48x128xf32, #tpu.memory_space<vmem>> -> memref<16x128xf32, #tpu.memory_space<vmem>>
        %dma_start3A_48 = arith.constant 0 : i32
        %dma_start3A_49 = tpu.memref_slice %arg6[%add3A_45, %dma_start3A_48] : memref<20000x128xf32, #tpu.memory_space<hbm>> -> memref<16x128xf32, #tpu.memory_space<hbm>>
        %dma_start3A_50 = arith.constant 0 : i32
        %dma_start3A_51 = tpu.memref_slice %arg6[%add3A_45, %dma_start3A_50] : memref<20000x128xf32, #tpu.memory_space<hbm>> -> memref<16x128xf32, #tpu.memory_space<hbm>>
        %dma_start3A_52 = arith.constant 0 : i32
        %dma_start3A_53 = arith.constant 0 : i32
        %dma_start3A_54 = tpu.memref_slice %arg12[%dma_start3A_52, %dma_start3A_53] : memref<48x128xf32, #tpu.memory_space<vmem>> -> memref<16x128xf32, #tpu.memory_space<vmem>>
        tpu.enqueue_dma source(%dma_start3A_54 : memref<16x128xf32, #tpu.memory_space<vmem>>) target(%dma_start3A_51 : memref<16x128xf32, #tpu.memory_space<hbm>>) target_semaphore(%run_scoped3A : memref<!tpu.dma_semaphore, #tpu.memory_space<semaphore_mem>>)
        %dma_wait3A = arith.constant 0 : i32
        %dma_wait3A_55 = arith.constant 0 : i32
        %dma_wait3A_56 = tpu.memref_slice %arg12[%dma_wait3A, %dma_wait3A_55] : memref<48x128xf32, #tpu.memory_space<vmem>> -> memref<16x128xf32, #tpu.memory_space<vmem>>
        %dma_wait3A_57 = arith.constant 0 : i32
        %dma_wait3A_58 = tpu.memref_slice %arg6[%add3A_45, %dma_wait3A_57] : memref<20000x128xf32, #tpu.memory_space<hbm>> -> memref<16x128xf32, #tpu.memory_space<hbm>>
        %dma_wait3A_59 = arith.constant 0 : i32
        %dma_wait3A_60 = tpu.memref_slice %arg6[%add3A_45, %dma_wait3A_59] : memref<20000x128xf32, #tpu.memory_space<hbm>> -> memref<16x128xf32, #tpu.memory_space<hbm>>
        %dma_wait3A_61 = arith.constant 0 : i32
        %dma_wait3A_62 = arith.constant 0 : i32
        %dma_wait3A_63 = tpu.memref_slice %arg12[%dma_wait3A_61, %dma_wait3A_62] : memref<48x128xf32, #tpu.memory_space<vmem>> -> memref<16x128xf32, #tpu.memory_space<vmem>>
        tpu.wait_dma2 semaphore(%run_scoped3A : memref<!tpu.dma_semaphore, #tpu.memory_space<semaphore_mem>>) src(%dma_wait3A_63 : memref<16x128xf32, #tpu.memory_space<vmem>>) dst(%dma_wait3A_60 : memref<16x128xf32, #tpu.memory_space<hbm>>)
        tpu.yield
      }) : () -> ()
    } else {
    }
    %mul3A_40 = arith.constant 10000 : i32
    %mul3A_41 = arith.muli %add3A, %mul3A_40 : i32
    "tpu.region"() ({
      %run_scoped3A = tpu.sem_alloc : memref<!tpu.dma_semaphore, #tpu.memory_space<semaphore_mem>>
      %dma_start3A = tpu.memref_slice %arg7[%mul3A_41] : memref<320000xf32, #tpu.memory_space<hbm>> -> memref<10000xf32, #tpu.memory_space<hbm>>
      %dma_start3A_42 = tpu.memref_slice %arg7[%mul3A_41] : memref<320000xf32, #tpu.memory_space<hbm>> -> memref<10000xf32, #tpu.memory_space<hbm>>
      tpu.enqueue_dma source(%arg13 : memref<10000xf32, #tpu.memory_space<vmem>>) target(%dma_start3A_42 : memref<10000xf32, #tpu.memory_space<hbm>>) target_semaphore(%run_scoped3A : memref<!tpu.dma_semaphore, #tpu.memory_space<semaphore_mem>>)
      %dma_wait3A = tpu.memref_slice %arg7[%mul3A_41] : memref<320000xf32, #tpu.memory_space<hbm>> -> memref<10000xf32, #tpu.memory_space<hbm>>
      %dma_wait3A_43 = tpu.memref_slice %arg7[%mul3A_41] : memref<320000xf32, #tpu.memory_space<hbm>> -> memref<10000xf32, #tpu.memory_space<hbm>>
      tpu.wait_dma2 semaphore(%run_scoped3A : memref<!tpu.dma_semaphore, #tpu.memory_space<semaphore_mem>>) src(%arg13 : memref<10000xf32, #tpu.memory_space<vmem>>) dst(%dma_wait3A_43 : memref<10000xf32, #tpu.memory_space<hbm>>)
      tpu.yield
    }) : () -> ()
    return
  }
}

module attributes {stable_mosaic.version = 14 : i64} {
  func.func @_proj_body(%arg0: i32, %arg1: memref<1000x128xf32, #tpu.memory_space<vmem>>, %arg2: memref<1000x8xf32, #tpu.memory_space<vmem>>, %arg3: memref<128x128xf32, #tpu.memory_space<vmem>>, %arg4: memref<128x128xf32, #tpu.memory_space<vmem>>, %arg5: memref<8x128xf32, #tpu.memory_space<vmem>>, %arg6: memref<1x128xf32, #tpu.memory_space<vmem>>, %arg7: memref<1000x128xf32, #tpu.memory_space<vmem>>, %arg8: memref<1000x128xf32, #tpu.memory_space<vmem>>) attributes {dimension_semantics = [#tpu.dimension_semantics<arbitrary>], iteration_bounds = array<i64: 10>, scalar_prefetch = 0 : i64, scratch_operands = 0 : i64, tpu.core_type = #tpu.core_type<tc>, window_params = [{transform_indices = @transform_0, window_bounds = array<i64: 1000, 128>}, {transform_indices = @transform_1, window_bounds = array<i64: 1000, 8>}, {pipeline_mode = #tpu.pipeline_mode<synchronous>, transform_indices = @transform_2, window_bounds = array<i64: 128, 128>}, {pipeline_mode = #tpu.pipeline_mode<synchronous>, transform_indices = @transform_3, window_bounds = array<i64: 128, 128>}, {pipeline_mode = #tpu.pipeline_mode<synchronous>, transform_indices = @transform_4, window_bounds = array<i64: 8, 128>}, {pipeline_mode = #tpu.pipeline_mode<synchronous>, transform_indices = @transform_5, window_bounds = array<i64: 1, 128>}, {transform_indices = @transform_6, window_bounds = array<i64: 1000, 128>}, {transform_indices = @transform_7, window_bounds = array<i64: 1000, 128>}]} {
    %get3A = arith.constant 0 : index
    %get3A_0 = arith.constant 0 : index
    %get3A_1 = vector.load %arg1[%get3A, %get3A_0] : memref<1000x128xf32, #tpu.memory_space<vmem>>, vector<1000x128xf32>
    %get3A_2 = arith.constant 0 : index
    %get3A_3 = arith.constant 0 : index
    %get3A_4 = vector.load %arg2[%get3A_2, %get3A_3] : memref<1000x8xf32, #tpu.memory_space<vmem>>, vector<1000x8xf32>
    %get3A_5 = arith.constant 0 : index
    %get3A_6 = arith.constant 0 : index
    %get3A_7 = vector.load %arg5[%get3A_5, %get3A_6] : memref<8x128xf32, #tpu.memory_space<vmem>>, vector<8x128xf32>
    %dot_general3A = arith.constant dense<0.000000e+00> : vector<1000x128xf32>
    %dot_general3A_8 = tpu.matmul %get3A_4, %get3A_7, %dot_general3A {dimension_numbers = #tpu.dot_dimension_numbers<[1], [0], [0], [1], [0, 0, 1, 1], [], []>, transpose_lhs_hint = false} : vector<1000x8xf32>, vector<8x128xf32>, vector<1000x128xf32> -> vector<1000x128xf32>
    %get3A_9 = arith.constant 0 : index
    %get3A_10 = arith.constant 0 : index
    %get3A_11 = vector.load %arg4[%get3A_9, %get3A_10] : memref<128x128xf32, #tpu.memory_space<vmem>>, vector<128x128xf32>
    %dot_general3A_12 = arith.constant dense<0.000000e+00> : vector<1000x128xf32>
    %dot_general3A_13 = tpu.matmul %get3A_1, %get3A_11, %dot_general3A_12 {dimension_numbers = #tpu.dot_dimension_numbers<[1], [0], [0], [1], [0, 0, 1, 1], [], []>, transpose_lhs_hint = false} : vector<1000x128xf32>, vector<128x128xf32>, vector<1000x128xf32> -> vector<1000x128xf32>
    %get3A_14 = arith.constant 0 : index
    %get3A_15 = arith.constant 0 : index
    %get3A_16 = vector.load %arg3[%get3A_14, %get3A_15] : memref<128x128xf32, #tpu.memory_space<vmem>>, vector<128x128xf32>
    %get3A_17 = arith.constant 0 : index
    %get3A_18 = arith.constant 0 : index
    %get3A_19 = vector.load %arg4[%get3A_17, %get3A_18] : memref<128x128xf32, #tpu.memory_space<vmem>>, vector<128x128xf32>
    %sub3A = arith.subf %get3A_16, %get3A_19 : vector<128x128xf32>
    %dot_general3A_20 = arith.constant dense<0.000000e+00> : vector<1000x128xf32>
    %dot_general3A_21 = tpu.matmul %get3A_1, %sub3A, %dot_general3A_20 {dimension_numbers = #tpu.dot_dimension_numbers<[1], [0], [0], [1], [0, 0, 1, 1], [], []>, transpose_lhs_hint = false} : vector<1000x128xf32>, vector<128x128xf32>, vector<1000x128xf32> -> vector<1000x128xf32>
    %sub3A_22 = arith.subf %dot_general3A_21, %dot_general3A_8 : vector<1000x128xf32>
    %swap3A = arith.constant 0 : index
    %swap3A_23 = arith.constant 0 : index
    %swap3A_24 = vector.load %arg7[%swap3A, %swap3A_23] : memref<1000x128xf32, #tpu.memory_space<vmem>>, vector<1000x128xf32>
    tpu.vector_store %arg7[%swap3A, %swap3A_23], %sub3A_22 {strides = array<i32>} : memref<1000x128xf32, #tpu.memory_space<vmem>>, vector<1000x128xf32>,
    %add3A = arith.addf %dot_general3A_13, %dot_general3A_8 : vector<1000x128xf32>
    %get3A_25 = arith.constant 0 : index
    %get3A_26 = arith.constant 0 : index
    %get3A_27 = vector.load %arg6[%get3A_25, %get3A_26] : memref<1x128xf32, #tpu.memory_space<vmem>>, vector<1x128xf32>
    %add3A_28 = vector.broadcast %get3A_27 : vector<1x128xf32> to vector<1000x128xf32>
    %add3A_29 = arith.addf %add3A, %add3A_28 : vector<1000x128xf32>
    %swap3A_30 = arith.constant 0 : index
    %swap3A_31 = arith.constant 0 : index
    %swap3A_32 = vector.load %arg8[%swap3A_30, %swap3A_31] : memref<1000x128xf32, #tpu.memory_space<vmem>>, vector<1000x128xf32>
    tpu.vector_store %arg8[%swap3A_30, %swap3A_31], %add3A_29 {strides = array<i32>} : memref<1000x128xf32, #tpu.memory_space<vmem>>, vector<1000x128xf32>,
    return
  }
  func.func @transform_0(%arg0: i32) -> (i32, i32) {
    %c0_i32 = arith.constant 0 : i32
    %c0_i32_0 = arith.constant 0 : i32
    return %arg0, %c0_i32 : i32, i32
  }
  func.func @transform_1(%arg0: i32) -> (i32, i32) {
    %c0_i32 = arith.constant 0 : i32
    %c0_i32_0 = arith.constant 0 : i32
    return %arg0, %c0_i32 : i32, i32
  }
  func.func @transform_2(%arg0: i32) -> (i32, i32) {
    %c0_i32 = arith.constant 0 : i32
    %c0_i32_0 = arith.constant 0 : i32
    %c0_i32_1 = arith.constant 0 : i32
    return %c0_i32, %c0_i32_0 : i32, i32
  }
  func.func @transform_3(%arg0: i32) -> (i32, i32) {
    %c0_i32 = arith.constant 0 : i32
    %c0_i32_0 = arith.constant 0 : i32
    %c0_i32_1 = arith.constant 0 : i32
    return %c0_i32, %c0_i32_0 : i32, i32
  }
  func.func @transform_4(%arg0: i32) -> (i32, i32) {
    %c0_i32 = arith.constant 0 : i32
    %c0_i32_0 = arith.constant 0 : i32
    %c0_i32_1 = arith.constant 0 : i32
    return %c0_i32, %c0_i32_0 : i32, i32
  }
  func.func @transform_5(%arg0: i32) -> (i32, i32) {
    %c0_i32 = arith.constant 0 : i32
    %c0_i32_0 = arith.constant 0 : i32
    %c0_i32_1 = arith.constant 0 : i32
    return %c0_i32, %c0_i32_0 : i32, i32
  }
  func.func @transform_6(%arg0: i32) -> (i32, i32) {
    %c0_i32 = arith.constant 0 : i32
    %c0_i32_0 = arith.constant 0 : i32
    return %arg0, %c0_i32 : i32, i32
  }
  func.func @transform_7(%arg0: i32) -> (i32, i32) {
    %c0_i32 = arith.constant 0 : i32
    %c0_i32_0 = arith.constant 0 : i32
    return %arg0, %c0_i32 : i32, i32
  }
}

module attributes {stable_mosaic.version = 14 : i64} {
  func.func @_finish_body(%arg0: i32, %arg1: memref<2x1000x128xf32, #tpu.memory_space<vmem>>, %arg2: memref<1000x32xf32, #tpu.memory_space<vmem>>, %arg3: memref<1000x128xf32, #tpu.memory_space<vmem>>, %arg4: memref<128x128xf32, #tpu.memory_space<vmem>>, %arg5: memref<1x128xf32, #tpu.memory_space<vmem>>, %arg6: memref<1x128xf32, #tpu.memory_space<vmem>>, %arg7: memref<1x128xf32, #tpu.memory_space<vmem>>, %arg8: memref<1000x128xf32, #tpu.memory_space<vmem>>) attributes {dimension_semantics = [#tpu.dimension_semantics<arbitrary>], iteration_bounds = array<i64: 10>, scalar_prefetch = 0 : i64, scratch_operands = 0 : i64, tpu.core_type = #tpu.core_type<tc>, window_params = [{transform_indices = @transform_0, window_bounds = array<i64: 2, 1000, 128>}, {transform_indices = @transform_1, window_bounds = array<i64: 1000, 32>}, {transform_indices = @transform_2, window_bounds = array<i64: 1000, 128>}, {pipeline_mode = #tpu.pipeline_mode<synchronous>, transform_indices = @transform_3, window_bounds = array<i64: 128, 128>}, {pipeline_mode = #tpu.pipeline_mode<synchronous>, transform_indices = @transform_4, window_bounds = array<i64: 1, 128>}, {pipeline_mode = #tpu.pipeline_mode<synchronous>, transform_indices = @transform_5, window_bounds = array<i64: 1, 128>}, {pipeline_mode = #tpu.pipeline_mode<synchronous>, transform_indices = @transform_6, window_bounds = array<i64: 1, 128>}, {transform_indices = @transform_7, window_bounds = array<i64: 1000, 128>}]} {
    %get3A = arith.constant 0 : index
    %get3A_0 = arith.constant 0 : index
    %get3A_1 = arith.constant 0 : index
    %get3A_2 = vector.load %arg1[%get3A, %get3A_0, %get3A_1] : memref<2x1000x128xf32, #tpu.memory_space<vmem>>, vector<1x1000x128xf32>
    %get3A_3 = vector.shape_cast %get3A_2 : vector<1x1000x128xf32> to vector<1000x128xf32>
    %get3A_4 = arith.constant 1 : index
    %get3A_5 = arith.constant 0 : index
    %get3A_6 = arith.constant 0 : index
    %get3A_7 = vector.load %arg1[%get3A_4, %get3A_5, %get3A_6] : memref<2x1000x128xf32, #tpu.memory_space<vmem>>, vector<1x1000x128xf32>
    %get3A_8 = vector.shape_cast %get3A_7 : vector<1x1000x128xf32> to vector<1000x128xf32>
    %add3A = arith.addf %get3A_3, %get3A_8 : vector<1000x128xf32>
    %get3A_9 = arith.constant 0 : index
    %get3A_10 = arith.constant 0 : index
    %get3A_11 = vector.load %arg2[%get3A_9, %get3A_10] : memref<1000x32xf32, #tpu.memory_space<vmem>>, vector<1000x32xf32>
    %reduce_sum3A = arith.constant dense<0.000000e+00> : vector<1000xf32>
    %reduce_sum3A_12 = vector.multi_reduction <add>, %get3A_11, %reduce_sum3A [1] : vector<1000x32xf32> to vector<1000xf32>
    %broadcast_in_dim3A = vector.shape_cast %reduce_sum3A_12 : vector<1000xf32> to vector<1000x1xf32>
    %get3A_13 = arith.constant 0 : index
    %get3A_14 = arith.constant 0 : index
    %get3A_15 = vector.load %arg4[%get3A_13, %get3A_14] : memref<128x128xf32, #tpu.memory_space<vmem>>, vector<128x128xf32>
    %dot_general3A = arith.constant dense<0.000000e+00> : vector<1000x128xf32>
    %dot_general3A_16 = tpu.matmul %add3A, %get3A_15, %dot_general3A {dimension_numbers = #tpu.dot_dimension_numbers<[1], [0], [0], [1], [0, 0, 1, 1], [], []>, transpose_lhs_hint = false} : vector<1000x128xf32>, vector<128x128xf32>, vector<1000x128xf32> -> vector<1000x128xf32>
    %get3A_17 = arith.constant 0 : index
    %get3A_18 = arith.constant 0 : index
    %get3A_19 = vector.load %arg5[%get3A_17, %get3A_18] : memref<1x128xf32, #tpu.memory_space<vmem>>, vector<1x128xf32>
    %mul3A = vector.broadcast %broadcast_in_dim3A : vector<1000x1xf32> to vector<1000x128xf32>
    %mul3A_20 = vector.broadcast %get3A_19 : vector<1x128xf32> to vector<1000x128xf32>
    %mul3A_21 = arith.mulf %mul3A, %mul3A_20 : vector<1000x128xf32>
    %add3A_22 = arith.addf %dot_general3A_16, %mul3A_21 : vector<1000x128xf32>
    %max3A = arith.constant 1.000000e+00 : f32
    %max3A_23 = vector.broadcast %max3A : f32 to vector<1000x1xf32>
    %max3A_24 = arith.maximumf %broadcast_in_dim3A, %max3A_23 : vector<1000x1xf32>
    %div3A = vector.broadcast %max3A_24 : vector<1000x1xf32> to vector<1000x128xf32>
    %div3A_25 = arith.divf %add3A_22, %div3A : vector<1000x128xf32>
    %get3A_26 = arith.constant 0 : index
    %get3A_27 = arith.constant 0 : index
    %get3A_28 = vector.load %arg3[%get3A_26, %get3A_27] : memref<1000x128xf32, #tpu.memory_space<vmem>>, vector<1000x128xf32>
    %add3A_29 = arith.addf %div3A_25, %get3A_28 : vector<1000x128xf32>
    %reduce_sum3A_30 = arith.constant dense<0.000000e+00> : vector<1000xf32>
    %reduce_sum3A_31 = vector.multi_reduction <add>, %add3A_29, %reduce_sum3A_30 [1] : vector<1000x128xf32> to vector<1000xf32>
    %broadcast_in_dim3A_32 = vector.shape_cast %reduce_sum3A_31 : vector<1000xf32> to vector<1000x1xf32>
    %div3A_33 = arith.constant 1.280000e+02 : f32
    %div3A_34 = vector.broadcast %div3A_33 : f32 to vector<1000x1xf32>
    %div3A_35 = arith.divf %broadcast_in_dim3A_32, %div3A_34 : vector<1000x1xf32>
    %sub3A = vector.broadcast %div3A_35 : vector<1000x1xf32> to vector<1000x128xf32>
    %sub3A_36 = arith.subf %add3A_29, %sub3A : vector<1000x128xf32>
    %mul3A_37 = arith.mulf %sub3A_36, %sub3A_36 : vector<1000x128xf32>
    %reduce_sum3A_38 = arith.constant dense<0.000000e+00> : vector<1000xf32>
    %reduce_sum3A_39 = vector.multi_reduction <add>, %mul3A_37, %reduce_sum3A_38 [1] : vector<1000x128xf32> to vector<1000xf32>
    %broadcast_in_dim3A_40 = vector.shape_cast %reduce_sum3A_39 : vector<1000xf32> to vector<1000x1xf32>
    %div3A_41 = arith.constant 1.280000e+02 : f32
    %div3A_42 = vector.broadcast %div3A_41 : f32 to vector<1000x1xf32>
    %div3A_43 = arith.divf %broadcast_in_dim3A_40, %div3A_42 : vector<1000x1xf32>
    %add3A_44 = arith.constant 9.99999974E-6 : f32
    %add3A_45 = vector.broadcast %add3A_44 : f32 to vector<1000x1xf32>
    %add3A_46 = arith.addf %div3A_43, %add3A_45 : vector<1000x1xf32>
    %rsqrt3A = math.rsqrt %add3A_46 : vector<1000x1xf32>
    %mul3A_47 = vector.broadcast %rsqrt3A : vector<1000x1xf32> to vector<1000x128xf32>
    %mul3A_48 = arith.mulf %sub3A_36, %mul3A_47 : vector<1000x128xf32>
    %get3A_49 = arith.constant 0 : index
    %get3A_50 = arith.constant 0 : index
    %get3A_51 = vector.load %arg6[%get3A_49, %get3A_50] : memref<1x128xf32, #tpu.memory_space<vmem>>, vector<1x128xf32>
    %mul3A_52 = vector.broadcast %get3A_51 : vector<1x128xf32> to vector<1000x128xf32>
    %mul3A_53 = arith.mulf %mul3A_48, %mul3A_52 : vector<1000x128xf32>
    %get3A_54 = arith.constant 0 : index
    %get3A_55 = arith.constant 0 : index
    %get3A_56 = vector.load %arg7[%get3A_54, %get3A_55] : memref<1x128xf32, #tpu.memory_space<vmem>>, vector<1x128xf32>
    %add3A_57 = vector.broadcast %get3A_56 : vector<1x128xf32> to vector<1000x128xf32>
    %add3A_58 = arith.addf %mul3A_53, %add3A_57 : vector<1000x128xf32>
    %swap3A = arith.constant 0 : index
    %swap3A_59 = arith.constant 0 : index
    %swap3A_60 = vector.load %arg8[%swap3A, %swap3A_59] : memref<1000x128xf32, #tpu.memory_space<vmem>>, vector<1000x128xf32>
    tpu.vector_store %arg8[%swap3A, %swap3A_59], %add3A_58 {strides = array<i32>} : memref<1000x128xf32, #tpu.memory_space<vmem>>, vector<1000x128xf32>,
    return
  }
  func.func @transform_0(%arg0: i32) -> (i32, i32, i32) {
    %c0_i32 = arith.constant 0 : i32
    %c0_i32_0 = arith.constant 0 : i32
    %c0_i32_1 = arith.constant 0 : i32
    return %c0_i32, %arg0, %c0_i32_0 : i32, i32, i32
  }
  func.func @transform_1(%arg0: i32) -> (i32, i32) {
    %c0_i32 = arith.constant 0 : i32
    %c0_i32_0 = arith.constant 0 : i32
    return %arg0, %c0_i32 : i32, i32
  }
  func.func @transform_2(%arg0: i32) -> (i32, i32) {
    %c0_i32 = arith.constant 0 : i32
    %c0_i32_0 = arith.constant 0 : i32
    return %arg0, %c0_i32 : i32, i32
  }
  func.func @transform_3(%arg0: i32) -> (i32, i32) {
    %c0_i32 = arith.constant 0 : i32
    %c0_i32_0 = arith.constant 0 : i32
    %c0_i32_1 = arith.constant 0 : i32
    return %c0_i32, %c0_i32_0 : i32, i32
  }
  func.func @transform_4(%arg0: i32) -> (i32, i32) {
    %c0_i32 = arith.constant 0 : i32
    %c0_i32_0 = arith.constant 0 : i32
    %c0_i32_1 = arith.constant 0 : i32
    return %c0_i32, %c0_i32_0 : i32, i32
  }
  func.func @transform_5(%arg0: i32) -> (i32, i32) {
    %c0_i32 = arith.constant 0 : i32
    %c0_i32_0 = arith.constant 0 : i32
    %c0_i32_1 = arith.constant 0 : i32
    return %c0_i32, %c0_i32_0 : i32, i32
  }
  func.func @transform_6(%arg0: i32) -> (i32, i32) {
    %c0_i32 = arith.constant 0 : i32
    %c0_i32_0 = arith.constant 0 : i32
    %c0_i32_1 = arith.constant 0 : i32
    return %c0_i32, %c0_i32_0 : i32, i32
  }
  func.func @transform_7(%arg0: i32) -> (i32, i32) {
    %c0_i32 = arith.constant 0 : i32
    %c0_i32_0 = arith.constant 0 : i32
    return %arg0, %c0_i32 : i32, i32
  }
}

</mosaic_0001>

<sc_bundles>
// kernel: kernel.5.cloned.1.call-start
scs
__scs_entry_jumppad:
0x0: {  	(pc) =	sbr.rel $0x88, $3  }
0x1: {  	(tag) =	ssettag $0x0;
	lr =	simm.s32 $0x1  }
0x2: {  	[smem:$0x3F98] =	sst lr;
	_ =	strace $0xD0000000  }
0x3: {  	_ = 	snop  }
0x4: {  	_ = 	snop  }
0x5: {  	_ = 	snop  }
0x6: {  	_ = 	snop  }
0x7: {  	_ = 	snop  }
__scs_overlays_trampoline_lowered:
0x8: {  	[smem:$0x3FA7] =	sst s0  }
0x9: {  	[smem:$0x3FA8] =	sst s1  }
0xa: {  	[smem:$0x3FA9] =	sst s2  }
0xb: {  	[smem:$0x3FAA] =	sst s3  }
0xc: {  	[smem:$0x3FAB] =	sst s4  }
0xd: {  	[smem:$0x3FAC] =	sst s5  }
0xe: {  	[smem:$0x3FAD] =	sst s6  }
0xf: {  	[smem:$0x3FAE] =	sst s7  }
0x10: {  	[smem:$0x3FAF] =	sst s8  }
0x11: {  	[smem:$0x3FB0] =	sst s9;
	s0 =	simm.s32 @!p0 $0x0  }
0x12: {  	s1 =	sld [smem:$0x3F96];
	s0 =	simm.s32 @p0 $0x1  }
0x13: {  	[smem:$0x3FB1] =	sst s0;
	s0 =	simm.s32 @!p1 $0x0  }
0x14: {  	s2 =	sld [smem:$0x3F95];
	s0 =	simm.s32 @p1 $0x1  }
0x15: {  	[smem:$0x3FB2] =	sst s0;
	s0 =	simm.s32 @!p2 $0x0  }
0x16: {  	s3 =	sld [smem:$0x3FDB];
	s0 =	simm.s32 @p2 $0x1  }
0x17: {  	s4 =	simm.s32 $0x1BF5;
	[smem:$0x3FB4] =	sst s0  }
0x18: {  	s0 =	sld [smem:$0x3F97];
	_ =	swait.ge [sflag:s4], $0x0  }
0x19: {  	s7 =	sld [smem:$0x3F98]  }
0x1a: {  	s8 =	sadd.s32 $0xFFFFE003, lr  }
0x1b: {  	s9 =	sadd.s32 $0xFFFFFEF7, lr;
	s5 =	simm.s32 $0xFFFFFFFF;
	p2 =	slt.u32 s8, $0xFFFFF086  }
0x1c: {  	p1 =	slt.u32 s9, $0xF7A;
	s5 =	simm.s32 @!p2 $0x0  }
0x1d: {  	s5 =	simm.s32 @p1 $0x1;
	p0 =	seq.s32 s7, s2  }
0x1e: {  	s7 =	smul.u32 @!p0 $0xF7A, s2;
	p2 =	seq.s32 @!p0 s5, $0x0  }
0x1f: {  	s9 =	smul.u32 $0xF7A, s1;
	s8 =	simm.s32 @!p0 $0x1BF5;
	p2 =	por !p2, p0  }
0x20: {  	[sflag:s8] =	ssyncset.s32 @!p0 $0xFFFFF086;
	s6 =	sadd.s32 @!p0 s3, s7;
	s7 =	simm.s32 @!p0 $0x108  }
0x21: {  	s3 =	sadd.s32 s3, s9;
	s6 =	sadd.s32 @!p0 $0x88, s6;
	s7 =	simm.s32 @p2 $0x1082  }
0x22: {  	[simem:s7], [sflag:s8] =	dma.local @!p0 [hbm:s6], $0xF7A  }
0x23: {  	s9 =	sor.u32 $0xD0000000, s2;
	s6 =	simm.s32 $0x108;
	_ =	swait.ge @!p0 [sflag:s8], $0x0  }
0x24: {  	s3 =	sadd.s32 $0x88, s3;
	s6 =	simm.s32 @!p1 $0x1082;
	[sflag:s4] =	ssyncset.s32 $0xFFFFF086  }
0x25: {  	[simem:s6], [sflag:s4] =	dma.local [hbm:s3], $0xF7A  }
0x26: {  	[smem:$0x3F98] =	sst s1;
	(tag) =	ssettag s2;
	_ =	strace s9  }
0x27: {  	s1 =	sld [smem:$0x3FA8]  }
0x28: {  	s2 =	sld [smem:$0x3FA9]  }
0x29: {  	s4 =	sld [smem:$0x3FAB]  }
0x2a: {  	p0 =	seq.s32 s5, $0x0;
	s5 =	sld [smem:$0x3FAC]  }
0x2b: {  	s6 =	sld [smem:$0x3FAD]  }
0x2c: {  	s7 =	sld [smem:$0x3FAE]  }
0x2d: {  	s3 =	simm.s32 $0x108;
	s8 =	sld [smem:$0x3FAF]  }
0x2e: {  	s3 =	simm.s32 @!p0 $0x1082;
	s9 =	sld [smem:$0x3FB0]  }
0x2f: {  	lr =	sadd.s32 s0, s3;
	s0 =	sld [smem:$0x3FA7]  }
0x30: {  	s3 =	sld [smem:$0x3FAA]  }
0x31: {  	[smem:$0x3FB3] =	sst s10  }
0x32: {  	s10 =	sld [smem:$0x3FB1];
	_ =	sdelay $0x3  }
0x33: {  	p0 =	seq.s32 s10, $0x1;
	s10 =	sld [smem:$0x3FB3];
	_ =	sdelay $0x3  }
0x34: {  	[smem:$0x3FB3] =	sst s10  }
0x35: {  	s10 =	sld [smem:$0x3FB2];
	_ =	sdelay $0x3  }
0x36: {  	p1 =	seq.s32 s10, $0x1;
	s10 =	sld [smem:$0x3FB3];
	_ =	sdelay $0x3  }
0x37: {  	[smem:$0x3FB3] =	sst s10  }
0x38: {  	s10 =	sld [smem:$0x3FB4]  }
0x39: {  	_ = 	snop;
	(pc) =	sbr.ind lr, $3  }
0x3a: {  	_ = 	snop  }
0x3b: {  	_ = 	snop  }
0x3c: {  	p2 =	seq.s32 s10, $0x1;
	s10 =	sld [smem:$0x3FB3]  }
0x3d: {  	_ =	shalt  }
0x3e: {  	_ =	shalt  }
0x3f: {  	_ =	shalt  }
0x40: {  	_ =	shalt  }
0x41: {  	_ =	shalt  }
0x42: {  	_ =	shalt  }
0x43: {  	_ =	shalt  }
0x44: {  	_ =	shalt  }
0x45: {  	_ =	shalt  }
0x46: {  	_ =	shalt  }
0x47: {  	_ =	shalt  }
0x48: {  	_ =	shalt  }
0x49: {  	_ =	shalt  }
0x4a: {  	_ =	shalt  }
0x4b: {  	_ =	shalt  }
0x4c: {  	_ =	shalt  }
0x4d: {  	_ =	shalt  }
0x4e: {  	_ =	shalt  }
0x4f: {  	_ =	shalt  }
0x50: {  	_ =	shalt  }
0x51: {  	_ =	shalt  }
0x52: {  	_ =	shalt  }
0x53: {  	_ =	shalt  }
0x54: {  	_ =	shalt  }
0x55: {  	_ =	shalt  }
0x56: {  	_ =	shalt  }
0x57: {  	_ =	shalt  }
0x58: {  	_ =	shalt  }
0x59: {  	_ =	shalt  }
0x5a: {  	_ =	shalt  }
0x5b: {  	_ =	shalt  }
0x5c: {  	_ =	shalt  }
0x5d: {  	_ =	shalt  }
0x5e: {  	_ =	shalt  }
0x5f: {  	_ =	shalt  }
0x60: {  	_ =	shalt  }
0x61: {  	_ =	shalt  }
0x62: {  	_ =	shalt  }
0x63: {  	_ =	shalt  }
0x64: {  	_ =	shalt  }
0x65: {  	_ =	shalt  }
0x66: {  	_ =	shalt  }
0x67: {  	_ =	shalt  }
0x68: {  	_ =	shalt  }
0x69: {  	_ =	shalt  }
0x6a: {  	_ =	shalt  }
0x6b: {  	_ =	shalt  }
0x6c: {  	_ =	shalt  }
0x6d: {  	_ =	shalt  }
0x6e: {  	_ =	shalt  }
0x6f: {  	_ =	shalt  }
0x70: {  	_ =	shalt  }
0x71: {  	_ =	shalt  }
0x72: {  	_ =	shalt  }
0x73: {  	_ =	shalt  }
0x74: {  	_ =	shalt  }
0x75: {  	_ =	shalt  }
0x76: {  	_ =	shalt  }
0x77: {  	_ =	shalt  }
0x78: {  	_ =	shalt  }
0x79: {  	_ =	shalt  }
0x7a: {  	_ =	shalt  }
0x7b: {  	_ =	shalt  }
0x7c: {  	_ =	shalt  }
0x7d: {  	_ =	shalt  }
0x7e: {  	_ =	shalt  }
0x7f: {  	_ =	shalt  }
0x80: {  	_ =	shalt  }
0x81: {  	_ =	shalt  }
0x82: {  	_ =	shalt  }
0x83: {  	_ =	shalt  }
0x84: {  	_ =	shalt  }
0x85: {  	_ =	shalt  }
0x86: {  	_ =	shalt  }
0x87: {  	_ =	shalt  }
.Lfunc_end0:
.L_simem_size_0:
called_computation_lowered:
.L_overlay_start_0:
0x88: {  	s2 =	sld [smem:$0x3FD9]  }
0x89: {  	s3 =	sld [smem:$0x3FFE];
	_ =	sdelay $0x1  }
0x8a: {  	s1 =	srdreg.scid  }
0x8b: {  	s0 =	sand.u32 $0x1, s1  }
0x8c: {  	s17 =	sshll.u32 s0, $0xA;
	s2 =	sadd.s32 s3, s2  }
0x8d: {  	s2 =	sadd.s32 s2, s17  }
0x8e: {  	[smem:$0x3FBF] =	sst s2  }
0x8f: {  	_ = 	snop  }
0x90: {  	s2 =	sld [smem:$0x3FD0];
	(tm) =	ssettm $0x1  }
0x91: {  	s18 =	sld [smem:$0x3FFB];
	_ =	sdelay $0x3  }
0x92: {  	_ =	strace s18  }
0x93: {  	s3 =	sld [smem:$0x3FFC];
	_ =	sdelay $0x3  }
0x94: {  	_ =	strace s3  }
0x95: {  	s3 =	sld [smem:$0x3FFD];
	_ =	sdelay $0x3  }
0x96: {  	_ =	strace s3  }
0x97: {  	_ =	strace $0x8FFFFFFF  }
0x98: {  	s19 =	sld [smem:$0x3FDB];
	_ =	sdelay $0x1  }
0x99: {  	s4 =	simm.s32 $_scs_section_size  }
0x9a: {  	s5 =	simm.s32 $_size__tile_overlayer_lowered;
	s6 =	simm.s32 $_tile_overlayer_lowered  }
0x9b: {  	s22 =	simm.s32 $0x1BFF;
	s21 =	sshll.u32 s6, $0x1;
	s3 =	sadd.s32 s4, s19  }
0x9c: {  	s7 =	simm.s32 $0x0;
	s20 =	sshll.u32 s5, $0x1;
	s5 =	sadd.s32 s21, s3  }
0x9d: {  	[timem:s7], [sflag:s22] =	dma.local [hbm:s5], s20  }
0x9e: {  	_ =	swait.ge [sflag:s22], s20  }
0x9f: {  	s4 =	ssub.s32 $0x0, s20;
	[sflag:s22] =	ssyncset.done $0x0  }
0xa0: {  	[sflag:s22] =	ssyncadd.s32 s4;
	_ =	sdelay $0x1  }
0xa1: {  	s23 =	simm.s32 $0x1B8B  }
0xa2: {  	_ =	swait.ge [sflag:s23], $0x1  }
0xa3: {  	[sflag:s23] =	ssyncset.done $0x0  }
0xa4: {  	s25 =	simm.s32 $0x1B8E;
	s24 =	sld [smem:$0x3FFE];
	[sflag:s23] =	ssyncadd.s32 $0xFFFFFFFF  }
0xa5: {  	s26 =	simm.s32 $execute0_lowered;
	[smem:$0x3FD2] =	sst s25  }
0xa6: {  	s5 =	sshll.u32 s26, $0x1;
	_ =	strace $0x80000046;
	[dreg:$0x1] =	wrdreg $0xFFFFFFFF  }
0xa7: {  	s28 =	simm.s32 $_size_execute0_lowered;
	s3 =	sadd.s32 s3, s5;
	[dreg:$0x0] =	wrdreg $0x0  }
0xa8: {  	s5 =	sshll.u32 s28, $0x1;
	[dreg:$0x2] =	wrdreg s3  }
0xa9: {  	[dreg:$0x3] =	wrdreg s5  }
0xaa: {  	[dreg:$0x4] =	wrdreg $0xC0  }
0xab: {  	_ =	task [dreg:s7], $0x5FFFF  }
0xac: {  	[dreg:$0x1] =	wrdreg $0xFFFFFFFF  }
0xad: {  	[dreg:$0x0] =	wrdreg $0x60  }
0xae: {  	[dreg:$0x2] =	wrdreg s2  }
0xaf: {  	[dreg:$0x3] =	wrdreg s24  }
0xb0: {  	[dreg:$0x4] =	wrdreg $0x90800  }
0xb1: {  	[dreg:$0x5] =	wrdreg $0x9  }
0xb2: {  	_ =	task.clear_ibuf [dreg:s7], $0x6FFFF;
	_ =	strace $0x90000046  }
0xb3: {  	s29 =	simm.s32 $0x9;
	_ =	strace $0x80000048  }
0xb4: {  	_ =	swait.ge [sflag:s29], $0x1  }
0xb5: {  	[sflag:s29] =	ssyncadd.s32 $0xFFFFFFFF  }
0xb6: {  	_ =	strace $0x90000048  }
0xb7: {  	_ =	sfence  }
0xb8: {  	s30 =	sld [smem:$0x0];
	_ =	sdelay $0x2  }
0xb9: {  	s31 =	sshll.u32 s1, $0xD;
	s1 =	sshrl.u32 s1, $0x2  }
0xba: {  	s3 =	sand.u32 $0x4000, s31;
	s1 =	sadd.s32 s1, s30  }
0xbb: {  	s0 =	sor.u32 s3, s0;
	s1 =	sshll.u32 s1, $0x11  }
0xbc: {  	s0 =	sor.u32 s1, s0  }
0xbd: {  	s0 =	sadd.s32 $0x8F2B, s0  }
0xbe: {  	[sflag:s0] =	ssyncadd.remote.s32 $0x1  }
0xbf: {  	_ =	sfence.sel $0xFFFF  }
0xc0: {  	[dreg:$0x0] =	wrdreg $0xFFFFFFFF;
	(pc) =	sbr.abs _section_cstart, $3  }
0xc1: {  	[dreg:$0x1] =	wrdreg $0xFFFFFFFF  }
0xc2: {  	_ =	task.clear_ibuf [dreg:s7], $0x2FFFF;
	_ =	strace $0x9FFFFFFF  }
0xc3: {  	(tm) =	ssettm $0x7FFFFFFF  }
tec
execute0_lowered:
.L_overlay_start_1:
0x0: {  	(tag) =	ssettag $0x1  }
0x1: {  	s1 =	rddreg [dreg:$0x0]  }
0x2: {  	s0 =	rddreg [dreg:$0x1]  }
0x3: {  	s3 =	rddreg [dreg:$0x2]  }
0x4: {  	s2 =	srdreg.scid;
	s15 =	stileid.u32  }
0x5: {  	s4 =	simm.s32 $0x0;
	s28 =	simm.s32 $0x5100;
	s29 =	simm.s32 $0x3  }
0x6: {  	s30 =	simm.s32 $0x80;
	s2 =	sand.u32 $0x1, s2;
	s5 =	sshll.u32 s15, $0x1  }
0x7: {  	[smem:$0x7FF] =	sst s4;
	s7 =	sadd.s32 $0xC000, s0;
	s8 =	sadd.s32 $0x2200, s0  }
0x8: {  	s10 =	sadd.s32 $0x46E00, s0;
	s14 =	smul.u32 $0x4E000, s15;
	s6 =	sor.u32 s2, s5  }
0x9: {  	_ =	strace $0x80000047;
	s9 =	smul.u32 $0x138800, s2;
	s12 =	ssub.s32 $0x2, s2  }
0xa: {  	s5 =	sadd.s32 $0x15E00, s0;
	s6 =	smul.u32 $0x2710, s6;
	s13 =	sshrl.u32 s12, $0x1  }
0xb: {  	s16 =	sshrl.u32 s14, $0x2;
	s9 =	sshrl.u32 s9, $0x3;
	s26 =	ssub.s32 s12, s13  }
0xc: {  	s11 =	sshrl.u32 s6, $0x3;
	s13 =	sadd.s32 s10, s9;
	s17 =	smax.u32 s26, $0x1  }
0xd: {  	s0 =	sadd.s32 s11, s0;
	s12 =	sadd.s32 $0x27000, s13;
	[dreg:$0x6] =	wrdreg s17  }
0xe: {  	s13 =	sadd.s32 s16, s3;
	[dreg:$0x4] =	wrdreg s12;
	s0 =	sadd.s32 $0x3D000, s0  }
0xf: {  	s31 =	simm.s32 $0x50;
	s18 =	sadd.s32 $0x1800, s13;
	[dreg:$0x5] =	wrdreg s0  }
0x10: {  	p0 =	sne.s32 s15, $0xF;
	s19 =	sadd.s32 $0x3000, s13;
	[dreg:$0x7] =	wrdreg s18  }
0x11: {  	s23 =	smul.u32 $0x27100, s2;
	s20 =	sadd.s32 $0x4800, s13;
	[dreg:$0x8] =	wrdreg s19  }
0x12: {  	s2 =	simm.s32 $0x2900;
	s21 =	sadd.s32 $0x6000, s13;
	[dreg:$0x9] =	wrdreg s20  }
0x13: {  	s14 =	simm.s32 $0x0;
	s22 =	sadd.s32 $0x7800, s13;
	[dreg:$0xa] =	wrdreg s21  }
0x14: {  	s9 =	sadd.s32 $0x138000, s3;
	s24 =	sadd.s32 $0x9000, s13;
	[dreg:$0xb] =	wrdreg s22  }
0x15: {  	s26 =	smul.u32 $0x2700, s15;
	s25 =	sadd.s32 $0xA800, s13;
	[dreg:$0xc] =	wrdreg s24  }
0x16: {  	s11 =	simm.s32 $0x1;
	s12 =	simm.s32 $0x2;
	[dreg:$0xd] =	wrdreg s25  }
0x17: {  	s21 =	sadd.s32 $0xC000, s13;
	s22 =	sadd.s32 $0xD800, s13;
	s0 =	sadd.s32 s23, s10  }
0x18: {  	s23 =	sadd.s32 $0xF000, s13;
	s25 =	sadd.s32 $0x10800, s13;
	s10 =	simm.s32 $0x6900  }
0x19: {  	v0 =	vimm.f32 $0.0e+00;
	v1 =	vimm.f32 $1.000000000e+00;
	s24 =	sadd.s32 s26, s0;
	s26 =	sadd.s32 $0x12000, s13;
	s0 =	simm.s32 $0x100  }
.LBB2_1:
0x1a: {  	s15 =	simm.s32 $0x0  }
.LBB2_2:
0x1b: {  	p1 =	sne.s32 s15, $0x9C00  }
.Ltmp0:
0x1c: {  	_ = 	snop;
	(pc) =	sbr.rel @p1 .LBB2_2-.Ltmp0, $3  }
0x1d: {  	_ =	sdelay $0x1  }
0x1e: {  	s16 =	sshra.s32 s15, $0x2  }
0x1f: {  	s15 =	sadd.s32 $0x40, s15;
	[tilespmem:s16+$0x6900] =	vst v0  }
0x20: {  	s15 =	simm.s32 $0x0;
	s16 =	simm.s32 $0x200  }
.LBB2_4:
0x21: {  	p1 =	sne.s32 s16, $0x5E00;
	[tilespmem:s15+$0x5170] =	vst v0  }
0x22: {  	[tilespmem:s15+$0x5100] =	vst v0  }
0x23: {  	[tilespmem:s15+$0x5110] =	vst v0  }
.Ltmp1:
0x24: {  	[tilespmem:s15+$0x5120] =	vst v0;
	(pc) =	sbr.rel @p1 .LBB2_4-.Ltmp1, $4  }
0x25: {  	[tilespmem:s15+$0x5130] =	vst v0  }
0x26: {  	[tilespmem:s15+$0x5140] =	vst v0  }
0x27: {  	[tilespmem:s15+$0x5150] =	vst v0  }
0x28: {  	[tilespmem:s15+$0x5160] =	vst v0;
	s15 =	sshra.s32 s16, $0x2;
	s16 =	sadd.s32 $0x200, s16  }
0x29: {  	[tilespmem:s15+$0x5170] =	vst v0  }
0x2a: {  	[tilespmem:s15+$0x5100] =	vst v0  }
0x2b: {  	[tilespmem:s15+$0x5110] =	vst v0  }
0x2c: {  	[tilespmem:s15+$0x5120] =	vst v0  }
0x2d: {  	[tilespmem:s15+$0x5130] =	vst v0  }
0x2e: {  	[tilespmem:s15+$0x5140] =	vst v0  }
0x2f: {  	[tilespmem:s15+$0x5150] =	vst v0  }
0x30: {  	[tilespmem:s15+$0x5160] =	vst v0  }
0x31: {  	[spmem:s13] =	stream.linear.scatter [tilespmem:s28], [sflag:$0x3], $0x1800, $0x38;
	[tilespmem:$0x1C900] =	vst v63  }
0x32: {  	_ =	swait.ge [sflag:s29], $0x1800  }
0x33: {  	[sflag:s29] =	ssyncset.done $0x0  }
0x34: {  	s19 =	rddreg [dreg:$0x7];
	[sflag:s29] =	ssyncadd.s32 $0xFFFFE800  }
0x35: {  	[spmem:s19] =	stream.linear.scatter [tilespmem:s28], [sflag:$0x3], $0x1800, $0x38;
	[tilespmem:$0x1C900] =	vst v63  }
0x36: {  	_ =	swait.ge [sflag:s29], $0x1800  }
0x37: {  	[sflag:s29] =	ssyncset.done $0x0  }
0x38: {  	s20 =	rddreg [dreg:$0x8];
	[sflag:s29] =	ssyncadd.s32 $0xFFFFE800  }
0x39: {  	[spmem:s20] =	stream.linear.scatter [tilespmem:s28], [sflag:$0x3], $0x1800, $0x38;
	[tilespmem:$0x1C900] =	vst v63  }
0x3a: {  	_ =	swait.ge [sflag:s29], $0x1800  }
0x3b: {  	[sflag:s29] =	ssyncset.done $0x0  }
0x3c: {  	s16 =	rddreg [dreg:$0x9];
	[sflag:s29] =	ssyncadd.s32 $0xFFFFE800  }
0x3d: {  	[spmem:s16] =	stream.linear.scatter [tilespmem:s28], [sflag:$0x3], $0x1800, $0x38;
	[tilespmem:$0x1C900] =	vst v63  }
0x3e: {  	_ =	swait.ge [sflag:s29], $0x1800  }
0x3f: {  	[sflag:s29] =	ssyncset.done $0x0  }
0x40: {  	s17 =	rddreg [dreg:$0xa];
	[sflag:s29] =	ssyncadd.s32 $0xFFFFE800  }
0x41: {  	[spmem:s17] =	stream.linear.scatter [tilespmem:s28], [sflag:$0x3], $0x1800, $0x38;
	[tilespmem:$0x1C900] =	vst v63  }
0x42: {  	_ =	swait.ge [sflag:s29], $0x1800  }
0x43: {  	[sflag:s29] =	ssyncset.done $0x0  }
0x44: {  	s18 =	rddreg [dreg:$0xb];
	[sflag:s29] =	ssyncadd.s32 $0xFFFFE800  }
0x45: {  	[spmem:s18] =	stream.linear.scatter [tilespmem:s28], [sflag:$0x3], $0x1800, $0x38;
	[tilespmem:$0x1C900] =	vst v63  }
0x46: {  	_ =	swait.ge [sflag:s29], $0x1800  }
0x47: {  	[sflag:s29] =	ssyncset.done $0x0  }
0x48: {  	s19 =	rddreg [dreg:$0xc];
	[sflag:s29] =	ssyncadd.s32 $0xFFFFE800  }
0x49: {  	[spmem:s19] =	stream.linear.scatter [tilespmem:s28], [sflag:$0x3], $0x1800, $0x38;
	[tilespmem:$0x1C900] =	vst v63  }
0x4a: {  	_ =	swait.ge [sflag:s29], $0x1800  }
0x4b: {  	[sflag:s29] =	ssyncset.done $0x0  }
0x4c: {  	s20 =	rddreg [dreg:$0xd];
	[sflag:s29] =	ssyncadd.s32 $0xFFFFE800  }
0x4d: {  	[spmem:s20] =	stream.linear.scatter [tilespmem:s28], [sflag:$0x3], $0x1800, $0x38;
	[tilespmem:$0x1C900] =	vst v63  }
0x4e: {  	_ =	swait.ge [sflag:s29], $0x1800  }
0x4f: {  	[sflag:s29] =	ssyncset.done $0x0  }
0x50: {  	[sflag:s29] =	ssyncadd.s32 $0xFFFFE800  }
0x51: {  	[spmem:s21] =	stream.linear.scatter [tilespmem:s28], [sflag:$0x3], $0x1800, $0x38;
	[tilespmem:$0x1C900] =	vst v63  }
0x52: {  	_ =	swait.ge [sflag:s29], $0x1800  }
0x53: {  	[sflag:s29] =	ssyncset.done $0x0  }
0x54: {  	[sflag:s29] =	ssyncadd.s32 $0xFFFFE800  }
0x55: {  	[spmem:s22] =	stream.linear.scatter [tilespmem:s28], [sflag:$0x3], $0x1800, $0x38;
	[tilespmem:$0x1C900] =	vst v63  }
0x56: {  	_ =	swait.ge [sflag:s29], $0x1800  }
0x57: {  	[sflag:s29] =	ssyncset.done $0x0  }
0x58: {  	[sflag:s29] =	ssyncadd.s32 $0xFFFFE800  }
0x59: {  	[spmem:s23] =	stream.linear.scatter [tilespmem:s28], [sflag:$0x3], $0x1800, $0x38;
	[tilespmem:$0x1C900] =	vst v63  }
0x5a: {  	_ =	swait.ge [sflag:s29], $0x1800  }
0x5b: {  	[sflag:s29] =	ssyncset.done $0x0  }
0x5c: {  	[sflag:s29] =	ssyncadd.s32 $0xFFFFE800  }
0x5d: {  	[spmem:s25] =	stream.linear.scatter [tilespmem:s28], [sflag:$0x3], $0x1800, $0x38;
	[tilespmem:$0x1C900] =	vst v63  }
0x5e: {  	_ =	swait.ge [sflag:s29], $0x1800  }
0x5f: {  	[sflag:s29] =	ssyncset.done $0x0  }
0x60: {  	[sflag:s29] =	ssyncadd.s32 $0xFFFFE800  }
0x61: {  	[spmem:s26] =	stream.linear.scatter [tilespmem:s28], [sflag:$0x3], $0x1800, $0x38;
	[tilespmem:$0x1C900] =	vst v63  }
0x62: {  	_ =	swait.ge [sflag:s29], $0x1800  }
0x63: {  	[sflag:s29] =	ssyncset.done $0x0  }
0x64: {  	s15 =	simm.s32 @!p0 $0x5100;
	[sflag:s29] =	ssyncadd.s32 $0xFFFFE800  }
0x65: {  	[spmem:s9] =	stream.linear.scatter @!p0 [tilespmem:s15], [sflag:$0x3], $0x800, $0x38;
	[tilespmem:$0x1C900] =	vst v63  }
0x66: {  	s15 =	simm.s32 @!p0 $0x3  }
0x67: {  	_ =	swait.ge @!p0 [sflag:s15], $0x800  }
0x68: {  	[sflag:s15] =	ssyncset.done @!p0 $0x0  }
0x69: {  	[sflag:s15] =	ssyncadd.s32 @!p0 $0xFFFFF800  }
0x6a: {  	s16 =	simm.s32 $0x0;
	s15 =	simm.s32 $0x0;
	[bflag:$0x0] =	sbarrier.arrive $0xFFFF  }
.LBB2_6:
0x6b: {  	s17 =	smul.u32 $0x50, s16;
	_ =	sdelay $0x1  }
0x6c: {  	s17 =	sadd.s32 s6, s17  }
0x6d: {  	s17 =	sshrl.u32 s17, $0x3  }
0x6e: {  	s18 =	sadd.s32 s7, s17  }
0x6f: {  	[tilespmem:s15], [sflag:$0x3] =	stream.linear.gather [hbm4b:s18+s15], $0x50, $0x38;
	[tilespmem:$0x1C900] =	vst v63  }
0x70: {  	_ =	swait.ge [sflag:s29], $0x50  }
0x71: {  	[sflag:s29] =	ssyncset.done $0x0  }
0x72: {  	s17 =	sadd.s32 s8, s17;
	[sflag:s29] =	ssyncadd.s32 $0xFFFFFFB0  }
0x73: {  	[tilespmem:s30], [sflag:$0x3] =	stream.linear.gather [hbm4b:s17+s15], $0x50, $0x38;
	[tilespmem:$0x1C900] =	vst v63  }
0x74: {  	_ =	swait.ge [sflag:s29], $0x50  }
0x75: {  	[sflag:s29] =	ssyncset.done $0x0  }
0x76: {  	[sflag:s29] =	ssyncadd.s32 $0xFFFFFFB0  }
0x77: {  	[tilespmem:s0], [sflag:$0x1] =	stream.indirect.gather [hbm4b:s1+s31], $0x80, s15, s31, $0xb8;
	[tilespmem:$0x1C900] =	vst v63  }
0x78: {  	_ = 	snop  }
0x79: {  	[tilespmem:s2], [sflag:$0x2] =	stream.indirect.gather [hbm4b:s5+s31], $0x80, s30, s31, $0xb8;
	[tilespmem:$0x1C900] =	vst v63  }
0x7a: {  	v2 =	vld [tilespmem:$0x80];
	_ =	sdelay $0x7  }
0x7b: {  	[tilespmem:v2+s10+$0x0] =	vst.idx.add.f32.msk $0xffff, v1  }
0x7c: {  	v2 =	vld [tilespmem:$0x90];
	_ =	sdelay $0x7  }
0x7d: {  	[tilespmem:v2+s10+$0x0] =	vst.idx.add.f32.msk $0xffff, v1  }
0x7e: {  	v2 =	vld [tilespmem:$0xA0];
	_ =	sdelay $0x7  }
0x7f: {  	[tilespmem:v2+s10+$0x0] =	vst.idx.add.f32.msk $0xffff, v1  }
0x80: {  	v2 =	vld [tilespmem:$0xB0];
	_ =	sdelay $0x7  }
0x81: {  	[tilespmem:v2+s10+$0x0] =	vst.idx.add.f32.msk $0xffff, v1  }
0x82: {  	v2 =	vld [tilespmem:$0xC0];
	_ =	sdelay $0x7  }
0x83: {  	[tilespmem:v2+s10+$0x0] =	vst.idx.add.f32.msk $0xffff, v1  }
0x84: {  	_ =	swait.ge [sflag:s11], $0x2800  }
0x85: {  	[sflag:s11] =	ssyncset.done $0x0  }
0x86: {  	[sflag:s11] =	ssyncadd.s32 $0xFFFFD800  }
0x87: {  	_ =	swait.ge [sflag:s12], $0x2800  }
0x88: {  	[sflag:s12] =	ssyncset.done $0x0  }
0x89: {  	s17 =	simm.s32 $0x0;
	[sflag:s12] =	ssyncadd.s32 $0xFFFFD800  }
0x8a: {  	v2 =	vld [tilespmem:s17+$0x2920]  }
0x8b: {  	v3 =	vld [tilespmem:s17+$0x2950]  }
0x8c: {  	v4 =	vld [tilespmem:s17+$0x2970]  }
0x8d: {  	v7 =	vld [tilespmem:s17+$0x2930]  }
0x8e: {  	v10 =	vld [tilespmem:s17+$0x2910]  }
0x8f: {  	v5 =	vld [tilespmem:s17+$0x120]  }
0x90: {  	v6 =	vld [tilespmem:s17+$0x150]  }
0x91: {  	v11 =	vld [tilespmem:s17+$0x170]  }
0x92: {  	v12 =	vld [tilespmem:s17+$0x2900]  }
0x93: {  	v14 =	vld [tilespmem:s17+$0x100]  }
0x94: {  	v13 =	vld [tilespmem:s17+$0x2940]  }
0x95: {  	v9 =	vadd.f32 v2, v5;
	v2 =	vld [tilespmem:s17+$0x140]  }
0x96: {  	v15 =	vld [tilespmem:s17+$0x130];
	v8 =	vadd.f32 v3, v6  }
0x97: {  	v6 =	vadd.f32 v4, v11;
	v11 =	vld [tilespmem:s17+$0x110];
	v3 =	vmul.f32 $-1.702000020e+00, v9  }
0x98: {  	v4 =	vadd.f32 v12, v14;
	v5 =	vmul.f32 $-1.702000020e+00, v8  }
0x99: {  	v58 =	vld [tilespmem:s17+$0x2960];
	v16 =	vmul.f32 $-1.702000020e+00, v6;
	v3 =	vmul.f32 $1.442695020e+00, v3  }
0x9a: {  	v59 =	vld [tilespmem:s17+$0x160];
	v14 =	vmul.f32 $-1.702000020e+00, v4;
	v57 =	vmul.f32 $1.442695020e+00, v5;
	v5 =	vadd.f32 v13, v2  }
0x9b: {  	v7 =	vadd.f32 v7, v15;
	v2 =	vmul.f32 $1.442695020e+00, v16;
	(erf) = vpow2.f32 v3  }
0x9c: {  	v3 =	vadd.f32 v10, v11;
	(erf) = vpow2.f32 v57;
	v10 =	vmul.f32 $-1.702000020e+00, v5  }
0x9d: {  	(erf) = vpow2.f32 v2;
	v2 =	vmul.f32 $1.442695020e+00, v14  }
0x9e: {  	v11 =	vmul.f32 $-1.702000020e+00, v7  }
0x9f: {  	v10 =	vmul.f32 $1.442695020e+00, v10;
	(erf) = vpow2.f32 v2;
	v2 =	vadd.f32 v58, v59  }
0xa0: {  	v60 =	vmul.f32 $-1.702000020e+00, v3;
	v11 =	vmul.f32 $1.442695020e+00, v11  }
0xa1: {  	(erf) = vpow2.f32 v10;
	v10 =	vmul.f32 $-1.702000020e+00, v2  }
0xa2: {  	v14 =	vmul.f32 $1.442695020e+00, v60  }
0xa3: {  	(erf) = vpow2.f32 v11;
	v10 =	vmul.f32 $1.442695020e+00, v10  }
0xa4: {  	(erf) = vpow2.f32 v14  }
0xa5: {  	v11 =	vpop (erf)  }
0xa6: {  	v11 =	vadd.f32 $1.000000000e+00, v11;
	v61 =	vpop (erf)  }
0xa7: {  	(erf) = vpow2.f32 v10;
	v10 =	vpop (erf)  }
0xa8: {  	v12 =	vadd.f32 $1.000000000e+00, v61;
	v10 =	vadd.f32 $1.000000000e+00, v10  }
0xa9: {  	(erf) = vrcp.f32 v11  }
0xaa: {  	v11 =	vpop (erf);
	(erf) = vrcp.f32 v12  }
0xab: {  	v11 =	vadd.f32 $1.000000000e+00, v11;
	v62 =	vpop (erf);
	(erf) = vrcp.f32 v10  }
0xac: {  	v12 =	vadd.f32 $1.000000000e+00, v62;
	v10 =	vpop (erf)  }
0xad: {  	(erf) = vrcp.f32 v11;
	v63 =	vpop (erf)  }
0xae: {  	s19 =	simm.s32 $0x400;
	s18 =	simm.s32 $0x200;
	v11 =	vadd.f32 $1.000000000e+00, v10;
	(erf) = vrcp.f32 v12;
	v10 =	vadd.f32 $1.000000000e+00, v63  }
.LBB2_7:
0xaf: {  	p1 =	sne.s32 s19, $0x9E00  }
0xb0: {  	s20 =	sshra.s32 s18, $0x2;
	(erf) = vrcp.f32 v11;
	s18 =	smov.u32 s19;
	s19 =	sadd.s32 $0x200, s19  }
0xb1: {  	v11 =	vld [tilespmem:s20+$0x2920];
	(erf) = vrcp.f32 v10;
	v10 =	vpop (erf)  }
0xb2: {  	v12 =	vld [tilespmem:s20+$0x2950];
	v16 =	vadd.f32 $1.000000000e+00, v10;
	v13 =	vpop (erf)  }
0xb3: {  	v14 =	vld [tilespmem:s20+$0x2970];
	v9 =	vmul.f32 v13, v9;
	v13 =	vpop (erf)  }
0xb4: {  	v15 =	vld [tilespmem:s20+$0x2930];
	v8 =	vmul.f32 v13, v8;
	(erf) = vrcp.f32 v16;
	v10 =	vpop (erf)  }
0xb5: {  	v13 =	vld [tilespmem:s20+$0x2910];
	[tilespmem:s17+$0x120] =	vst v9;
	v10 =	vmul.f32 v10, v6  }
0xb6: {  	v9 =	vld [tilespmem:s20+$0x120];
	[tilespmem:s17+$0x150] =	vst v8  }
0xb7: {  	v8 =	vld [tilespmem:s20+$0x150];
	[tilespmem:s17+$0x170] =	vst v10;
	v6 =	vpop (erf)  }
0xb8: {  	v10 =	vld [tilespmem:s20+$0x170];
	v4 =	vmul.f32 v6, v4;
	v6 =	vpop (erf)  }
0xb9: {  	v16 =	vld [tilespmem:s20+$0x2900];
	v5 =	vmul.f32 v6, v5;
	v6 =	vpop (erf)  }
0xba: {  	v17 =	vld [tilespmem:s20+$0x2940];
	[tilespmem:s17+$0x100] =	vst v4;
	v4 =	vmul.f32 v6, v7;
	v6 =	vpop (erf)  }
0xbb: {  	v7 =	vld [tilespmem:s20+$0x100];
	v9 =	vadd.f32 v11, v9;
	v18 =	vmul.f32 v6, v3;
	[tilespmem:s17+$0x140] =	vst v5  }
0xbc: {  	v5 =	vld [tilespmem:s20+$0x140];
	v8 =	vadd.f32 v12, v8;
	[tilespmem:s17+$0x130] =	vst v4  }
0xbd: {  	v4 =	vmul.f32 $-1.702000020e+00, v9;
	v11 =	vld [tilespmem:s20+$0x130];
	v6 =	vadd.f32 v14, v10;
	[tilespmem:s17+$0x110] =	vst v18;
	v3 =	vpop (erf)  }
0xbe: {  	v10 =	vld [tilespmem:s20+$0x110];
	v12 =	vmul.f32 $-1.702000020e+00, v8;
	v2 =	vmul.f32 v3, v2  }
0xbf: {  	v3 =	vmul.f32 $1.442695020e+00, v4;
	v14 =	vmul.f32 $-1.702000020e+00, v6  }
0xc0: {  	v4 =	vadd.f32 v16, v7;
	v12 =	vmul.f32 $1.442695020e+00, v12;
	v16 =	vld [tilespmem:s20+$0x2960];
	[tilespmem:s17+$0x160] =	vst v2;
	s17 =	smov.u32 s20  }
0xc1: {  	v5 =	vadd.f32 v17, v5;
	v2 =	vld [tilespmem:s17+$0x160];
	v14 =	vmul.f32 $1.442695020e+00, v14;
	(erf) = vpow2.f32 v3  }
0xc2: {  	v17 =	vmul.f32 $-1.702000020e+00, v4;
	v7 =	vadd.f32 v15, v11;
	(erf) = vpow2.f32 v12  }
0xc3: {  	v3 =	vadd.f32 v13, v10;
	v10 =	vmul.f32 $-1.702000020e+00, v5;
	(erf) = vpow2.f32 v14  }
0xc4: {  	v11 =	vmul.f32 $1.442695020e+00, v17;
	v12 =	vmul.f32 $-1.702000020e+00, v7  }
0xc5: {  	v13 =	vmul.f32 $-1.702000020e+00, v3;
	v10 =	vmul.f32 $1.442695020e+00, v10  }
0xc6: {  	v12 =	vmul.f32 $1.442695020e+00, v12;
	v2 =	vadd.f32 v16, v2;
	(erf) = vpow2.f32 v11  }
0xc7: {  	v13 =	vmul.f32 $1.442695020e+00, v13;
	(erf) = vpow2.f32 v10  }
0xc8: {  	v10 =	vmul.f32 $-1.702000020e+00, v2;
	(erf) = vpow2.f32 v12  }
0xc9: {  	(erf) = vpow2.f32 v13  }
0xca: {  	v13 =	vmul.f32 $1.442695020e+00, v10;
	v11 =	vpop (erf)  }
0xcb: {  	v11 =	vadd.f32 $1.000000000e+00, v11;
	v12 =	vpop (erf)  }
0xcc: {  	v12 =	vadd.f32 $1.000000000e+00, v12;
	(erf) = vpow2.f32 v13;
	v10 =	vpop (erf)  }
0xcd: {  	v10 =	vadd.f32 $1.000000000e+00, v10;
	(erf) = vrcp.f32 v11  }
0xce: {  	(erf) = vrcp.f32 v12  }
.Ltmp2:
0xcf: {  	v11 =	vpop (erf);
	(erf) = vrcp.f32 v10;
	(pc) =	sbr.rel @p1 .LBB2_7-.Ltmp2, $4  }
0xd0: {  	v13 =	vadd.f32 $1.000000000e+00, v11;
	v11 =	vpop (erf)  }
0xd1: {  	v12 =	vadd.f32 $1.000000000e+00, v11;
	v11 =	vpop (erf)  }
0xd2: {  	v11 =	vadd.f32 $1.000000000e+00, v11;
	(erf) = vrcp.f32 v13;
	v10 =	vpop (erf)  }
0xd3: {  	v10 =	vadd.f32 $1.000000000e+00, v10;
	(erf) = vrcp.f32 v12  }
0xd4: {  	_ = 	snop  }
0xd5: {  	v13 =	vpop (erf)  }
0xd6: {  	v15 =	vpop (erf);
	(erf) = vrcp.f32 v11  }
0xd7: {  	(erf) = vrcp.f32 v10  }
0xd8: {  	s18 =	sshra.s32 s18, $0x2  }
0xd9: {  	v12 =	vld [tilespmem:s18+$0x2920]  }
0xda: {  	v14 =	vld [tilespmem:s18+$0x2950];
	v30 =	vadd.f32 $1.000000000e+00, v13  }
0xdb: {  	v16 =	vld [tilespmem:s18+$0x2970];
	v9 =	vmul.f32 v15, v9;
	v17 =	vpop (erf)  }
0xdc: {  	v27 =	vld [tilespmem:s18+$0x2930];
	v8 =	vmul.f32 v17, v8;
	v28 =	vpop (erf);
	(erf) = vrcp.f32 v30  }
0xdd: {  	v18 =	vld [tilespmem:s18+$0x2910];
	[tilespmem:s17+$0x120] =	vst v9;
	v6 =	vmul.f32 v28, v6;
	v32 =	vpop (erf)  }
0xde: {  	v29 =	vld [tilespmem:s18+$0x120];
	[tilespmem:s17+$0x150] =	vst v8;
	v35 =	vpop (erf)  }
0xdf: {  	v31 =	vld [tilespmem:s18+$0x150];
	[tilespmem:s17+$0x170] =	vst v6;
	v37 =	vpop (erf)  }
0xe0: {  	v33 =	vld [tilespmem:s18+$0x170];
	v4 =	vmul.f32 v32, v4;
	v39 =	vpop (erf)  }
0xe1: {  	v34 =	vld [tilespmem:s18+$0x2900];
	v5 =	vmul.f32 v35, v5;
	v3 =	vmul.f32 v39, v3  }
0xe2: {  	v36 =	vld [tilespmem:s18+$0x2940];
	[tilespmem:s17+$0x100] =	vst v4;
	v4 =	vmul.f32 v37, v7  }
0xe3: {  	v38 =	vld [tilespmem:s18+$0x100];
	[tilespmem:s17+$0x140] =	vst v5  }
0xe4: {  	v40 =	vld [tilespmem:s18+$0x140];
	[tilespmem:s17+$0x130] =	vst v4  }
0xe5: {  	v4 =	vld [tilespmem:s18+$0x130];
	[tilespmem:s17+$0x110] =	vst v3;
	v3 =	vpop (erf)  }
0xe6: {  	v41 =	vadd.f32 v12, v29;
	v2 =	vmul.f32 v3, v2  }
0xe7: {  	v9 =	vadd.f32 v14, v31;
	v42 =	vld [tilespmem:s18+$0x110]  }
0xe8: {  	v43 =	vld [tilespmem:s18+$0x2960];
	v3 =	vmul.f32 $-1.702000020e+00, v41;
	[tilespmem:s17+$0x160] =	vst v2  }
0xe9: {  	v8 =	vadd.f32 v16, v33;
	v14 =	vmul.f32 $-1.702000020e+00, v9;
	v44 =	vld [tilespmem:s18+$0x160]  }
0xea: {  	v2 =	vmul.f32 $1.442695020e+00, v3;
	v3 =	vadd.f32 v34, v38  }
0xeb: {  	v16 =	vmul.f32 $-1.702000020e+00, v8;
	v45 =	vmul.f32 $1.442695020e+00, v14;
	v7 =	vadd.f32 v36, v40  }
0xec: {  	(erf) = vpow2.f32 v2;
	v2 =	vmul.f32 $-1.702000020e+00, v3  }
0xed: {  	v46 =	vmul.f32 $1.442695020e+00, v16;
	v48 =	vmul.f32 $-1.702000020e+00, v7;
	v4 =	vadd.f32 v27, v4  }
0xee: {  	(erf) = vpow2.f32 v45;
	v2 =	vmul.f32 $1.442695020e+00, v2;
	v6 =	vadd.f32 v43, v44  }
0xef: {  	v47 =	vadd.f32 v18, v42;
	v49 =	vmul.f32 $-1.702000020e+00, v4;
	(erf) = vpow2.f32 v46  }
0xf0: {  	(erf) = vpow2.f32 v2;
	v2 =	vmul.f32 $-1.702000020e+00, v6  }
0xf1: {  	v11 =	vmul.f32 $1.442695020e+00, v48;
	v50 =	vmul.f32 $-1.702000020e+00, v47  }
0xf2: {  	v51 =	vmul.f32 $1.442695020e+00, v49;
	v2 =	vmul.f32 $1.442695020e+00, v2  }
0xf3: {  	v52 =	vmul.f32 $1.442695020e+00, v50;
	(erf) = vpow2.f32 v11  }
0xf4: {  	(erf) = vpow2.f32 v51  }
0xf5: {  	(erf) = vpow2.f32 v52  }
0xf6: {  	(erf) = vpow2.f32 v2;
	v2 =	vpop (erf)  }
0xf7: {  	v2 =	vadd.f32 $1.000000000e+00, v2;
	_ =	sdelay $0x1  }
0xf8: {  	v53 =	vpop (erf)  }
0xf9: {  	v54 =	vpop (erf)  }
0xfa: {  	v11 =	vadd.f32 $1.000000000e+00, v53;
	(erf) = vrcp.f32 v2;
	v2 =	vpop (erf)  }
0xfb: {  	v12 =	vadd.f32 $1.000000000e+00, v54;
	v2 =	vadd.f32 $1.000000000e+00, v2  }
0xfc: {  	(erf) = vrcp.f32 v11;
	v55 =	vpop (erf)  }
0xfd: {  	(erf) = vrcp.f32 v12;
	v11 =	vadd.f32 $1.000000000e+00, v55  }
0xfe: {  	v56 =	vpop (erf);
	(erf) = vrcp.f32 v2  }
0xff: {  	(erf) = vrcp.f32 v11;
	v2 =	vpop (erf)  }
0x100: {  	v12 =	vadd.f32 $1.000000000e+00, v56;
	v2 =	vadd.f32 $1.000000000e+00, v2  }
0x101: {  	v57 =	vpop (erf)  }
0x102: {  	(erf) = vrcp.f32 v12;
	v11 =	vadd.f32 $1.000000000e+00, v57  }
0x103: {  	(erf) = vrcp.f32 v2  }
0x104: {  	(erf) = vrcp.f32 v11;
	v2 =	vpop (erf)  }
0x105: {  	v2 =	vmul.f32 v2, v41;
	v58 =	vpop (erf)  }
0x106: {  	v59 =	vpop (erf)  }
0x107: {  	[tilespmem:s18+$0x120] =	vst v2;
	v2 =	vmul.f32 v59, v8;
	v60 =	vpop (erf)  }
0x108: {  	v61 =	vpop (erf)  }
0x109: {  	v5 =	vmul.f32 v58, v9;
	[tilespmem:s18+$0x170] =	vst v2;
	v2 =	vmul.f32 v61, v7  }
0x10a: {  	v3 =	vmul.f32 v60, v3  }
0x10b: {  	[tilespmem:s18+$0x150] =	vst v5;
	v62 =	vpop (erf)  }
0x10c: {  	[tilespmem:s18+$0x100] =	vst v3;
	v3 =	vmul.f32 v62, v4;
	v63 =	vpop (erf)  }
0x10d: {  	[tilespmem:s18+$0x140] =	vst v2;
	v4 =	vmul.f32 v63, v47;
	v2 =	vpop (erf)  }
0x10e: {  	s16 =	sadd.s32 $0x1, s16;
	[tilespmem:s18+$0x130] =	vst v3;
	v2 =	vmul.f32 v2, v6  }
0x10f: {  	p1 =	sne.s32 s16, $0x7D;
	[tilespmem:s18+$0x110] =	vst v4  }
.Ltmp3:
0x110: {  	[tilespmem:s18+$0x160] =	vst v2;
	(pc) =	sbr.rel @p1 .LBB2_6-.Ltmp3, $4  }
0x111: {  	[spmem:s3] =	stream.indirect.scatter.add.f32 [tilespmem:s0], [sflag:$0x3], $0x80, s30, s31, $0xb8;
	[tilespmem:$0x1C900] =	vst v63  }
0x112: {  	_ =	swait.ge [sflag:s29], $0x2800  }
0x113: {  	[sflag:s29] =	ssyncset.done $0x0  }
0x114: {  	[sflag:s29] =	ssyncadd.s32 $0xFFFFD800  }
0x115: {  	[bflag:$0x0] =	sbarrier.arrive $0xFFFF  }
0x116: {  	[tilespmem:s28], [sflag:$0x3] =	stream.linear.gather [spmem:s13], $0x1800, $0x38;
	[tilespmem:$0x1C900] =	vst v63  }
0x117: {  	_ =	swait.ge [sflag:s29], $0x1800  }
0x118: {  	[sflag:s29] =	ssyncset.done $0x0  }
0x119: {  	s15 =	sadd.s32 $0x0, s24;
	[sflag:s29] =	ssyncadd.s32 $0xFFFFE800  }
0x11a: {  	[hbm4b:s15+s4] =	stream.linear.scatter [tilespmem:s28], [sflag:$0x3], $0x1800, $0x38;
	[tilespmem:$0x1C900] =	vst v63  }
0x11b: {  	_ =	swait.ge [sflag:s29], $0x1800  }
0x11c: {  	s16 =	smov.u32 s13;
	s15 =	simm.s32 $0x300;
	[sflag:s29] =	ssyncset.done $0x0  }
.LBB2_10:
0x11d: {  	p1 =	sne.s32 s15, $0x2400;
	[sflag:s29] =	ssyncadd.s32 $0xFFFFE800;
	s16 =	sadd.s32 $0x1800, s16  }
0x11e: {  	[tilespmem:s28], [sflag:$0x3] =	stream.linear.gather [spmem:s16], $0x1800, $0x38;
	[tilespmem:$0x1C900] =	vst v63  }
0x11f: {  	s17 =	smov.u32 s15;
	s15 =	sadd.s32 $0x300, s15;
	_ =	swait.ge [sflag:s29], $0x1800  }
.Ltmp4:
0x120: {  	[sflag:s29] =	ssyncset.done $0x0;
	(pc) =	sbr.rel @p1 .LBB2_10-.Ltmp4, $4  }
0x121: {  	s17 =	sadd.s32 s17, s24;
	[sflag:s29] =	ssyncadd.s32 $0xFFFFE800  }
0x122: {  	[hbm4b:s17+s4] =	stream.linear.scatter [tilespmem:s28], [sflag:$0x3], $0x1800, $0x38;
	[tilespmem:$0x1C900] =	vst v63  }
0x123: {  	_ =	swait.ge [sflag:s29], $0x1800  }
0x124: {  	[sflag:s29] =	ssyncset.done $0x0  }
0x125: {  	[sflag:s29] =	ssyncadd.s32 $0xFFFFE800;
	s15 =	simm.s32 @!p0 $0x5100;
	s16 =	simm.s32 @!p0 $0x3  }
0x126: {  	[tilespmem:s15], [sflag:$0x3] =	stream.linear.gather @!p0 [spmem:s9], $0x800, $0x38;
	[tilespmem:$0x1C900] =	vst v63  }
0x127: {  	_ =	swait.ge @!p0 [sflag:s16], $0x800  }
0x128: {  	[sflag:s16] =	ssyncset.done @!p0 $0x0  }
0x129: {  	s17 =	simm.s32 @!p0 $0x0;
	s18 =	rddreg [dreg:$0x4];
	[sflag:s16] =	ssyncadd.s32 @!p0 $0xFFFFF800  }
0x12a: {  	[hbm4b:s18+s17] =	stream.linear.scatter @!p0 [tilespmem:s15], [sflag:$0x3], $0x800, $0x38;
	[tilespmem:$0x1C900] =	vst v63  }
0x12b: {  	_ =	swait.ge @!p0 [sflag:s16], $0x800  }
0x12c: {  	[sflag:s16] =	ssyncset.done @!p0 $0x0  }
0x12d: {  	s19 =	rddreg [dreg:$0x5];
	[sflag:s16] =	ssyncadd.s32 @!p0 $0xFFFFF800  }
0x12e: {  	[hbm4b:s19+s4] =	stream.linear.scatter [tilespmem:s10], [sflag:$0x3], $0x2710, $0x38;
	[tilespmem:$0x1C900] =	vst v63  }
0x12f: {  	_ =	swait.ge [sflag:s29], $0x2710  }
0x130: {  	s14 =	sadd.s32 $0x1, s14;
	s20 =	rddreg [dreg:$0x6]  }
0x131: {  	p1 =	sne.s32 s14, s20  }
.Ltmp5:
0x132: {  	_ = 	snop;
	(pc) =	sbr.rel @p1 .LBB2_1-.Ltmp5, $3  }
0x133: {  	_ =	sdelay $0x1  }
0x134: {  	[sflag:s29] =	ssyncset.done $0x0  }
0x135: {  	[sflag:s29] =	ssyncadd.s32 $0xFFFFD8F0  }
0x136: {  	_ =	sfence.sel $0x180000  }
0x137: {  	[bflag:$0x0] =	sbarrier.arrive $0xFFFF  }
0x138: {  	_ =	strace $0x90000047  }
0x139: {  	s0 =	stileid.u32;
	[bflag:$0x2] =	sbarrier.arrive $0xFFFF  }
0x13a: {  	p0 =	sne.s32 s0, $0x0;
	s0 =	rddreg [dreg:$0x3]  }
0x13b: {  	s0 =	sadd.s32 @!p0 $0x100000, s0  }
0x13c: {  	[sflag:s0] =	ssyncadd.tile.s32 @!p0 $0x1;
	_ =	shalt  }
.Lfunc_end2:
_tile_overlayer_lowered:
.L_overlay_start_2:
0x13d: {  	(tag) =	ssettag $0x2  }
0x13e: {  	s0 =	rddreg [dreg:$0x0];
	s2 =	stileid.u32  }
0x13f: {  	s1 =	rddreg [dreg:$0x1];
	p0 =	sne.s32 s2, $0x0  }
0x140: {  	s3 =	rddreg [dreg:$0x2];
	[bflag:$0x3] =	sbarrier.arrive $0xFFFF;
	s2 =	simm.s32 @!p0 $0x1C03  }
0x141: {  	[timem:s3], [sflag:s2] =	dma.local @!p0 [hbm:s0], s1  }
0x142: {  	s0 =	simm.s32 @!p0 $0x3  }
0x143: {  	_ =	swait.ge @!p0 [sflag:s0], s1  }
0x144: {  	s1 =	ssub.s32 @!p0 $0x0, s1;
	[sflag:s0] =	ssyncset.done @!p0 $0x0  }
0x145: {  	[sflag:s0] =	ssyncadd.s32 @!p0 s1  }
0x146: {  	[bflag:$0x3] =	sbarrier.arrive $0xFFFF  }
0x147: {  	_ =	shalt  }

</sc_bundles>
